<compile_context>
chip_gen: v7x
topology: tpu7x:2x2x1
jax: 0.10.2.dev20260603
libtpu: 0.0.44.dev20260713+nightly
codegen_flags: <defaults>
</compile_context>

<pallas_src>
import jax
import jax.numpy as jnp
from jax import lax
from jax.experimental import pallas as pl
from jax.experimental.pallas import tpu as pltpu
from jax.experimental.pallas import tpu_sc as plsc

LANES = 16


def _pick_chunk(c: int) -> int:
    best = 16
    for k in range(16, 8401, 16):
        if c % k == 0:
            best = k
    return best


def _build_sc_call(R, V, C, NW, RPT, K):
    NCH = C // K
    mesh = plsc.VectorSubcoreMesh(core_axis_name="c", subcore_axis_name="s")

    def body(rows_hbm, gi_hbm, noise_hbm, out_hbm,
             t2a, t2b, t2c, t2d, idxb, noise_v, res_v, sem_rows, sem_idx):
        t2 = [t2a, t2b, t2c, t2d][:RPT]
        wid = lax.axis_index("s") * 2 + lax.axis_index("c")

        def fire(chunk, slot):
            return [pltpu.async_copy(gi_hbm.at[pl.ds(chunk * 3 * K, 3 * K)],
                                     idxb.at[pl.ds(slot * 3 * K, 3 * K)],
                                     sem_idx)]

        row_copies = []
        for r in range(RPT):
            off = pl.multiple_of((wid * RPT + r) * V, 8)
            row_copies.append(
                pltpu.async_copy(rows_hbm.at[pl.ds(off, V)],
                                 t2[r].at[pl.ds(0, V)], sem_rows))
        pending = fire(0, 0)
        pltpu.sync_copy(noise_hbm, noise_v)
        nv = noise_v[:]
        for cp in row_copies:
            cp.wait()

        def build_body(i, carry):
            b = i * LANES
            for r in range(RPT):
                t2[r][pl.ds(b, LANES)] = t2[r][pl.ds(b, LANES)] + nv
            return carry

        lax.fori_loop(0, V // LANES, build_body, 0)

        vbig = jnp.full((LANES,), jnp.float32(jnp.inf))
        accs = [vbig for _ in range(RPT)]
        lowmask = jnp.full((LANES,), 0x7FFFFFFF, dtype=jnp.int32)
        signmask = jnp.full((LANES,), -0x80000000, dtype=jnp.int32)
        iota3 = lax.broadcasted_iota(jnp.int32, (LANES,), 0) * 3

        for chunk in range(NCH):
            slot = chunk % 2
            for cp in pending:
                cp.wait()
            if chunk + 1 < NCH:
                pending = fire(chunk + 1, (chunk + 1) % 2)
            else:
                pending = []

            def chunk_body(i, carry, slot=slot):
                wbase = slot * 3 * K + i * (3 * LANES)
                idxs = []
                sgns = []
                for j in range(3):
                    pk = plsc.load_gather(idxb, [iota3 + (wbase + j)])
                    idxs.append(lax.bitwise_and(pk, lowmask))
                    sgns.append(lax.bitwise_and(pk, signmask))
                out = []
                for r in range(RPT):
                    gs = []
                    for j in range(3):
                        g = plsc.load_gather(t2[r], [idxs[j]])
                        gi_ = lax.bitcast_convert_type(g, jnp.int32)
                        gs.append(lax.bitcast_convert_type(
                            lax.bitwise_xor(gi_, sgns[j]), jnp.float32))
                    m = jnp.maximum(jnp.maximum(gs[0], gs[1]), gs[2])
                    out.append(jnp.minimum(carry[r], m))
                return tuple(out)

            accs = list(lax.fori_loop(0, K // LANES, chunk_body, tuple(accs)))

        lane = lax.broadcasted_iota(jnp.int32, (LANES,), 0)
        vals = jnp.zeros((LANES,), jnp.float32)
        for r in range(RPT):
            m = jnp.min(accs[r])
            vals = jnp.where(lane == r, m, vals)
        res_v[:] = 1.0 / (1.0 + jnp.exp(-vals))
        out_off = pl.multiple_of(wid * LANES, 8)
        pltpu.sync_copy(res_v, out_hbm.at[pl.ds(out_off, LANES)])

    return pl.kernel(
        body,
        out_type=jax.ShapeDtypeStruct((NW * LANES,), jnp.float32),
        mesh=mesh,
        compiler_params=pltpu.CompilerParams(needs_layout_passes=False),
        scratch_types=[
            pltpu.VMEM((V,), jnp.float32),
            pltpu.VMEM((V,), jnp.float32),
            pltpu.VMEM((V,), jnp.float32),
            pltpu.VMEM((V,), jnp.float32),
            pltpu.VMEM((2 * 3 * K,), jnp.int32),
            pltpu.VMEM((LANES,), jnp.float32),
            pltpu.VMEM((LANES,), jnp.float32),
            pltpu.SemaphoreType.DMA,
            pltpu.SemaphoreType.DMA,
        ],
    )


@jax.jit
def _run(propositions, signs, noise, gather_indices):
    S_, B_, V_ = propositions.shape
    L_ = gather_indices.shape[0]
    C_ = L_ // 3
    R = S_ * B_
    NW = 32
    RPT = R // NW
    K = _pick_chunk(C_)

    rows = propositions.reshape(R * V_)
    gi3 = jnp.asarray(gather_indices, jnp.int32) | jnp.where(
        signs < 0, jnp.int32(-0x80000000), jnp.int32(0))
    noise_vec = jnp.broadcast_to(noise.astype(jnp.float32), (LANES,))

    call = _build_sc_call(R, V_, C_, NW, RPT, K)
    out = call(rows, gi3, noise_vec)
    return out.reshape(NW, LANES)[:, :RPT].reshape(S_, B_)


def kernel(propositions, signs, noise, gather_indices, scatter_indices):
    del scatter_indices
    return _run(propositions, signs, noise, gather_indices)

# --- scband reference (transcript-rebuilt; emitter-appended) ---
"""Pipeline reference for scband-satformula-89627377532978 (READ-ONLY COPY).

The authoritative reference and input builder live on the scoring server;
editing this copy changes nothing except your own understanding.
"""

import jax, jax.numpy as jnp
import numpy as np

S, B, V = 16, 8, 10000
C = 42000
L = 3 * C


def setup_inputs(seed: int = 0) -> dict:
    key = jax.random.key(seed)
    k1, k2, k3 = jax.random.split(key, 3)
    # learned parameter from __init__: propositions ~ N(0, 1), shape [num_samples, batch, num_vars]
    propositions = jax.random.normal(k1, (S, B, V), dtype=jnp.float32)
    # 3-SAT structure: each clause has exactly 3 literals -> scatter_indices = repeat(arange(C), 3) (sorted segment ids, no empty segments)
    scatter_indices = jnp.repeat(jnp.arange(C, dtype=jnp.int32), 3)
    gather_indices = jax.random.randint(k2, (L,), 0, V, dtype=jnp.int32)
    signs = jnp.where(jax.random.normal(k3, (L,)) > 0, 1.0, -1.0).astype(jnp.float32)
    noise = jnp.zeros((), dtype=jnp.float32)
    return {
        "propositions": propositions,
        "signs": signs,
        "noise": noise,
        "gather_indices": gather_indices,
        "scatter_indices": scatter_indices,
    }


def reference(propositions, signs, noise, gather_indices, scatter_indices):
    # Faithful translation of SATFormula.forward with semantics='Godel', use_sigmoid=True, discretize=False.
    S_, B_, V_ = propositions.shape
    L_ = gather_indices.shape[0]
    noisy_propositions = propositions + noise
    # torch.gather(noisy, -1, gather_indices.expand(S, B, L))
    gi = jnp.broadcast_to(gather_indices[None, None, :], (S_, B_, L_))
    grounded_literals = jnp.take_along_axis(noisy_propositions, gi, axis=-1) * signs
    grounded_literals = jax.nn.sigmoid(grounded_literals)
    # disjunction (Godel): scatter_max over last dim by clause id == segment_max over literal axis
    data = grounded_literals.reshape(S_ * B_, L_).T  # [L, S*B]
    clauses = jax.ops.segment_max(data, scatter_indices, num_segments=C, indices_are_sorted=True)  # [C, S*B]
    clauses = clauses.T.reshape(S_, B_, C)
    # conjunction (Godel): min over clauses
    return jnp.min(clauses, axis=-1)

if __name__ == "__main__":
    import jax
    _d = setup_inputs()
    print(jax.jit(kernel)(*tuple(_d.values())))

</pallas_src>

<mosaic_0001>
#map = affine_map<(d0, d1) -> (0)>
module attributes {stable_mosaic.version = 14 : i64} {
  func.func @body(%arg0: i32, %arg1: i32, %arg2: memref<1280000xf32, #tpu.memory_space<hbm>>, %arg3: memref<126000xi32, #tpu.memory_space<hbm>>, %arg4: memref<16xf32, #tpu.memory_space<hbm>>, %arg5: memref<512xf32, #tpu.memory_space<hbm>>, %arg6: memref<10000xf32, #tpu.memory_space<vmem>>, %arg7: memref<10000xf32, #tpu.memory_space<vmem>>, %arg8: memref<10000xf32, #tpu.memory_space<vmem>>, %arg9: memref<10000xf32, #tpu.memory_space<vmem>>, %arg10: memref<50400xi32, #tpu.memory_space<vmem>>, %arg11: memref<16xf32, #tpu.memory_space<vmem>>, %arg12: memref<16xf32, #tpu.memory_space<vmem>>, %arg13: memref<!tpu.dma_semaphore, #tpu.memory_space<semaphore_mem>>, %arg14: memref<!tpu.dma_semaphore, #tpu.memory_space<semaphore_mem>>) attributes {dimension_semantics = [#tpu.dimension_semantics<core_parallel>, #tpu.dimension_semantics<subcore_parallel>], iteration_bounds = array<i64: 2, 16>, scalar_prefetch = 0 : i64, scratch_operands = 9 : i64, tpu.core_type = #tpu.core_type<sc_vector_subcore>, window_params = [{transform_indices = #map}, {transform_indices = #map}, {transform_indices = #map}, {transform_indices = #map}]} {
    %mul3A = arith.constant 2 : i32
    %mul3A_0 = arith.muli %arg1, %mul3A : i32
    %add3A = arith.addi %mul3A_0, %arg0 : i32
    %mul3A_1 = arith.constant 4 : i32
    %mul3A_2 = arith.muli %add3A, %mul3A_1 : i32
    %add3A_3 = arith.constant 0 : i32
    %add3A_4 = arith.addi %mul3A_2, %add3A_3 : i32
    %mul3A_5 = arith.constant 10000 : i32
    %mul3A_6 = arith.muli %add3A_4, %mul3A_5 : i32
    %multiple_of3A = tpu.assume_multiple %mul3A_6, 8 : i32
    %dma_start3A = arith.constant 0 : i32
    %dma_start3A_7 = tpu.memref_slice %arg6[%dma_start3A] : memref<10000xf32, #tpu.memory_space<vmem>> -> memref<10000xf32, #tpu.memory_space<vmem>>
    %dma_start3A_8 = tpu.memref_slice %arg2[%multiple_of3A] : memref<1280000xf32, #tpu.memory_space<hbm>> -> memref<10000xf32, #tpu.memory_space<hbm>>
    %dma_start3A_9 = arith.constant 0 : i32
    %dma_start3A_10 = tpu.memref_slice %arg6[%dma_start3A_9] : memref<10000xf32, #tpu.memory_space<vmem>> -> memref<10000xf32, #tpu.memory_space<vmem>>
    %dma_start3A_11 = tpu.memref_slice %arg2[%multiple_of3A] : memref<1280000xf32, #tpu.memory_space<hbm>> -> memref<10000xf32, #tpu.memory_space<hbm>>
    tpu.enqueue_dma source(%dma_start3A_11 : memref<10000xf32, #tpu.memory_space<hbm>>) target(%dma_start3A_10 : memref<10000xf32, #tpu.memory_space<vmem>>) target_semaphore(%arg13 : memref<!tpu.dma_semaphore, #tpu.memory_space<semaphore_mem>>)
    %mul3A_12 = arith.constant 4 : i32
    %mul3A_13 = arith.muli %add3A, %mul3A_12 : i32
    %add3A_14 = arith.constant 1 : i32
    %add3A_15 = arith.addi %mul3A_13, %add3A_14 : i32
    %mul3A_16 = arith.constant 10000 : i32
    %mul3A_17 = arith.muli %add3A_15, %mul3A_16 : i32
    %multiple_of3A_18 = tpu.assume_multiple %mul3A_17, 8 : i32
    %dma_start3A_19 = arith.constant 0 : i32
    %dma_start3A_20 = tpu.memref_slice %arg7[%dma_start3A_19] : memref<10000xf32, #tpu.memory_space<vmem>> -> memref<10000xf32, #tpu.memory_space<vmem>>
    %dma_start3A_21 = tpu.memref_slice %arg2[%multiple_of3A_18] : memref<1280000xf32, #tpu.memory_space<hbm>> -> memref<10000xf32, #tpu.memory_space<hbm>>
    %dma_start3A_22 = arith.constant 0 : i32
    %dma_start3A_23 = tpu.memref_slice %arg7[%dma_start3A_22] : memref<10000xf32, #tpu.memory_space<vmem>> -> memref<10000xf32, #tpu.memory_space<vmem>>
    %dma_start3A_24 = tpu.memref_slice %arg2[%multiple_of3A_18] : memref<1280000xf32, #tpu.memory_space<hbm>> -> memref<10000xf32, #tpu.memory_space<hbm>>
    tpu.enqueue_dma source(%dma_start3A_24 : memref<10000xf32, #tpu.memory_space<hbm>>) target(%dma_start3A_23 : memref<10000xf32, #tpu.memory_space<vmem>>) target_semaphore(%arg13 : memref<!tpu.dma_semaphore, #tpu.memory_space<semaphore_mem>>)
    %mul3A_25 = arith.constant 4 : i32
    %mul3A_26 = arith.muli %add3A, %mul3A_25 : i32
    %add3A_27 = arith.constant 2 : i32
    %add3A_28 = arith.addi %mul3A_26, %add3A_27 : i32
    %mul3A_29 = arith.constant 10000 : i32
    %mul3A_30 = arith.muli %add3A_28, %mul3A_29 : i32
    %multiple_of3A_31 = tpu.assume_multiple %mul3A_30, 8 : i32
    %dma_start3A_32 = arith.constant 0 : i32
    %dma_start3A_33 = tpu.memref_slice %arg8[%dma_start3A_32] : memref<10000xf32, #tpu.memory_space<vmem>> -> memref<10000xf32, #tpu.memory_space<vmem>>
    %dma_start3A_34 = tpu.memref_slice %arg2[%multiple_of3A_31] : memref<1280000xf32, #tpu.memory_space<hbm>> -> memref<10000xf32, #tpu.memory_space<hbm>>
    %dma_start3A_35 = arith.constant 0 : i32
    %dma_start3A_36 = tpu.memref_slice %arg8[%dma_start3A_35] : memref<10000xf32, #tpu.memory_space<vmem>> -> memref<10000xf32, #tpu.memory_space<vmem>>
    %dma_start3A_37 = tpu.memref_slice %arg2[%multiple_of3A_31] : memref<1280000xf32, #tpu.memory_space<hbm>> -> memref<10000xf32, #tpu.memory_space<hbm>>
    tpu.enqueue_dma source(%dma_start3A_37 : memref<10000xf32, #tpu.memory_space<hbm>>) target(%dma_start3A_36 : memref<10000xf32, #tpu.memory_space<vmem>>) target_semaphore(%arg13 : memref<!tpu.dma_semaphore, #tpu.memory_space<semaphore_mem>>)
    %mul3A_38 = arith.constant 4 : i32
    %mul3A_39 = arith.muli %add3A, %mul3A_38 : i32
    %add3A_40 = arith.constant 3 : i32
    %add3A_41 = arith.addi %mul3A_39, %add3A_40 : i32
    %mul3A_42 = arith.constant 10000 : i32
    %mul3A_43 = arith.muli %add3A_41, %mul3A_42 : i32
    %multiple_of3A_44 = tpu.assume_multiple %mul3A_43, 8 : i32
    %dma_start3A_45 = arith.constant 0 : i32
    %dma_start3A_46 = tpu.memref_slice %arg9[%dma_start3A_45] : memref<10000xf32, #tpu.memory_space<vmem>> -> memref<10000xf32, #tpu.memory_space<vmem>>
    %dma_start3A_47 = tpu.memref_slice %arg2[%multiple_of3A_44] : memref<1280000xf32, #tpu.memory_space<hbm>> -> memref<10000xf32, #tpu.memory_space<hbm>>
    %dma_start3A_48 = arith.constant 0 : i32
    %dma_start3A_49 = tpu.memref_slice %arg9[%dma_start3A_48] : memref<10000xf32, #tpu.memory_space<vmem>> -> memref<10000xf32, #tpu.memory_space<vmem>>
    %dma_start3A_50 = tpu.memref_slice %arg2[%multiple_of3A_44] : memref<1280000xf32, #tpu.memory_space<hbm>> -> memref<10000xf32, #tpu.memory_space<hbm>>
    tpu.enqueue_dma source(%dma_start3A_50 : memref<10000xf32, #tpu.memory_space<hbm>>) target(%dma_start3A_49 : memref<10000xf32, #tpu.memory_space<vmem>>) target_semaphore(%arg13 : memref<!tpu.dma_semaphore, #tpu.memory_space<semaphore_mem>>)
    %dma_start3A_51 = arith.constant 0 : i32
    %dma_start3A_52 = tpu.memref_slice %arg10[%dma_start3A_51] : memref<50400xi32, #tpu.memory_space<vmem>> -> memref<25200xi32, #tpu.memory_space<vmem>>
    %dma_start3A_53 = arith.constant 0 : i32
    %dma_start3A_54 = tpu.memref_slice %arg3[%dma_start3A_53] : memref<126000xi32, #tpu.memory_space<hbm>> -> memref<25200xi32, #tpu.memory_space<hbm>>
    %dma_start3A_55 = arith.constant 0 : i32
    %dma_start3A_56 = tpu.memref_slice %arg10[%dma_start3A_55] : memref<50400xi32, #tpu.memory_space<vmem>> -> memref<25200xi32, #tpu.memory_space<vmem>>
    %dma_start3A_57 = arith.constant 0 : i32
    %dma_start3A_58 = tpu.memref_slice %arg3[%dma_start3A_57] : memref<126000xi32, #tpu.memory_space<hbm>> -> memref<25200xi32, #tpu.memory_space<hbm>>
    tpu.enqueue_dma source(%dma_start3A_58 : memref<25200xi32, #tpu.memory_space<hbm>>) target(%dma_start3A_56 : memref<25200xi32, #tpu.memory_space<vmem>>) target_semaphore(%arg14 : memref<!tpu.dma_semaphore, #tpu.memory_space<semaphore_mem>>)
    "tpu.region"() ({
      %run_scoped3A = tpu.sem_alloc : memref<!tpu.dma_semaphore, #tpu.memory_space<semaphore_mem>>
      tpu.enqueue_dma source(%arg4 : memref<16xf32, #tpu.memory_space<hbm>>) target(%arg11 : memref<16xf32, #tpu.memory_space<vmem>>) target_semaphore(%run_scoped3A : memref<!tpu.dma_semaphore, #tpu.memory_space<semaphore_mem>>)
      tpu.wait_dma2 semaphore(%run_scoped3A : memref<!tpu.dma_semaphore, #tpu.memory_space<semaphore_mem>>) src(%arg4 : memref<16xf32, #tpu.memory_space<hbm>>) dst(%arg11 : memref<16xf32, #tpu.memory_space<vmem>>)
      tpu.yield
    }) : () -> ()
    %get3A = arith.constant 0 : index
    %get3A_59 = tpu.vector_load %arg11[%get3A] {strides = array<i32>} : memref<16xf32, #tpu.memory_space<vmem>>, vector<16xf32>,
    %dma_wait3A = arith.constant 0 : i32
    %dma_wait3A_60 = tpu.memref_slice %arg6[%dma_wait3A] : memref<10000xf32, #tpu.memory_space<vmem>> -> memref<10000xf32, #tpu.memory_space<vmem>>
    %dma_wait3A_61 = tpu.memref_slice %arg2[%multiple_of3A] : memref<1280000xf32, #tpu.memory_space<hbm>> -> memref<10000xf32, #tpu.memory_space<hbm>>
    %dma_wait3A_62 = arith.constant 0 : i32
    %dma_wait3A_63 = tpu.memref_slice %arg6[%dma_wait3A_62] : memref<10000xf32, #tpu.memory_space<vmem>> -> memref<10000xf32, #tpu.memory_space<vmem>>
    %dma_wait3A_64 = tpu.memref_slice %arg2[%multiple_of3A] : memref<1280000xf32, #tpu.memory_space<hbm>> -> memref<10000xf32, #tpu.memory_space<hbm>>
    tpu.wait_dma2 semaphore(%arg13 : memref<!tpu.dma_semaphore, #tpu.memory_space<semaphore_mem>>) src(%dma_wait3A_64 : memref<10000xf32, #tpu.memory_space<hbm>>) dst(%dma_wait3A_63 : memref<10000xf32, #tpu.memory_space<vmem>>)
    %dma_wait3A_65 = arith.constant 0 : i32
    %dma_wait3A_66 = tpu.memref_slice %arg7[%dma_wait3A_65] : memref<10000xf32, #tpu.memory_space<vmem>> -> memref<10000xf32, #tpu.memory_space<vmem>>
    %dma_wait3A_67 = tpu.memref_slice %arg2[%multiple_of3A_18] : memref<1280000xf32, #tpu.memory_space<hbm>> -> memref<10000xf32, #tpu.memory_space<hbm>>
    %dma_wait3A_68 = arith.constant 0 : i32
    %dma_wait3A_69 = tpu.memref_slice %arg7[%dma_wait3A_68] : memref<10000xf32, #tpu.memory_space<vmem>> -> memref<10000xf32, #tpu.memory_space<vmem>>
    %dma_wait3A_70 = tpu.memref_slice %arg2[%multiple_of3A_18] : memref<1280000xf32, #tpu.memory_space<hbm>> -> memref<10000xf32, #tpu.memory_space<hbm>>
    tpu.wait_dma2 semaphore(%arg13 : memref<!tpu.dma_semaphore, #tpu.memory_space<semaphore_mem>>) src(%dma_wait3A_70 : memref<10000xf32, #tpu.memory_space<hbm>>) dst(%dma_wait3A_69 : memref<10000xf32, #tpu.memory_space<vmem>>)
    %dma_wait3A_71 = arith.constant 0 : i32
    %dma_wait3A_72 = tpu.memref_slice %arg8[%dma_wait3A_71] : memref<10000xf32, #tpu.memory_space<vmem>> -> memref<10000xf32, #tpu.memory_space<vmem>>
    %dma_wait3A_73 = tpu.memref_slice %arg2[%multiple_of3A_31] : memref<1280000xf32, #tpu.memory_space<hbm>> -> memref<10000xf32, #tpu.memory_space<hbm>>
    %dma_wait3A_74 = arith.constant 0 : i32
    %dma_wait3A_75 = tpu.memref_slice %arg8[%dma_wait3A_74] : memref<10000xf32, #tpu.memory_space<vmem>> -> memref<10000xf32, #tpu.memory_space<vmem>>
    %dma_wait3A_76 = tpu.memref_slice %arg2[%multiple_of3A_31] : memref<1280000xf32, #tpu.memory_space<hbm>> -> memref<10000xf32, #tpu.memory_space<hbm>>
    tpu.wait_dma2 semaphore(%arg13 : memref<!tpu.dma_semaphore, #tpu.memory_space<semaphore_mem>>) src(%dma_wait3A_76 : memref<10000xf32, #tpu.memory_space<hbm>>) dst(%dma_wait3A_75 : memref<10000xf32, #tpu.memory_space<vmem>>)
    %dma_wait3A_77 = arith.constant 0 : i32
    %dma_wait3A_78 = tpu.memref_slice %arg9[%dma_wait3A_77] : memref<10000xf32, #tpu.memory_space<vmem>> -> memref<10000xf32, #tpu.memory_space<vmem>>
    %dma_wait3A_79 = tpu.memref_slice %arg2[%multiple_of3A_44] : memref<1280000xf32, #tpu.memory_space<hbm>> -> memref<10000xf32, #tpu.memory_space<hbm>>
    %dma_wait3A_80 = arith.constant 0 : i32
    %dma_wait3A_81 = tpu.memref_slice %arg9[%dma_wait3A_80] : memref<10000xf32, #tpu.memory_space<vmem>> -> memref<10000xf32, #tpu.memory_space<vmem>>
    %dma_wait3A_82 = tpu.memref_slice %arg2[%multiple_of3A_44] : memref<1280000xf32, #tpu.memory_space<hbm>> -> memref<10000xf32, #tpu.memory_space<hbm>>
    tpu.wait_dma2 semaphore(%arg13 : memref<!tpu.dma_semaphore, #tpu.memory_space<semaphore_mem>>) src(%dma_wait3A_82 : memref<10000xf32, #tpu.memory_space<hbm>>) dst(%dma_wait3A_81 : memref<10000xf32, #tpu.memory_space<vmem>>)
    %scan3A = arith.constant 0 : i32
    %scan3A_83 = arith.constant 0 : i32
    %scan3A_84 = arith.constant 625 : i32
    %scan3A_85 = arith.addi %scan3A_83, %scan3A_84 : i32
    %scan3A_86 = arith.constant 1 : i32
    scf.for %scan3A_245 = %scan3A_83 to %scan3A_85 step %scan3A_86  : i32 {
      %mul3A_246 = arith.constant 16 : i32
      %mul3A_247 = arith.muli %scan3A_245, %mul3A_246 : i32
      %get3A_248 = arith.index_cast %mul3A_247 : i32 to index
      %get3A_249 = tpu.vector_load %arg6[%get3A_248] {strides = array<i32>} : memref<10000xf32, #tpu.memory_space<vmem>>, vector<16xf32>,
      %add3A_250 = arith.addf %get3A_249, %get3A_59 : vector<16xf32>
      %swap3A_251 = arith.index_cast %mul3A_247 : i32 to index
      %swap3A_252 = tpu.vector_load %arg6[%swap3A_251] {strides = array<i32>} : memref<10000xf32, #tpu.memory_space<vmem>>, vector<16xf32>,
      tpu.vector_store %arg6[%swap3A_251], %add3A_250 {strides = array<i32>} : memref<10000xf32, #tpu.memory_space<vmem>>, vector<16xf32>,
      %get3A_253 = arith.index_cast %mul3A_247 : i32 to index
      %get3A_254 = tpu.vector_load %arg7[%get3A_253] {strides = array<i32>} : memref<10000xf32, #tpu.memory_space<vmem>>, vector<16xf32>,
      %add3A_255 = arith.addf %get3A_254, %get3A_59 : vector<16xf32>
      %swap3A_256 = arith.index_cast %mul3A_247 : i32 to index
      %swap3A_257 = tpu.vector_load %arg7[%swap3A_256] {strides = array<i32>} : memref<10000xf32, #tpu.memory_space<vmem>>, vector<16xf32>,
      tpu.vector_store %arg7[%swap3A_256], %add3A_255 {strides = array<i32>} : memref<10000xf32, #tpu.memory_space<vmem>>, vector<16xf32>,
      %get3A_258 = arith.index_cast %mul3A_247 : i32 to index
      %get3A_259 = tpu.vector_load %arg8[%get3A_258] {strides = array<i32>} : memref<10000xf32, #tpu.memory_space<vmem>>, vector<16xf32>,
      %add3A_260 = arith.addf %get3A_259, %get3A_59 : vector<16xf32>
      %swap3A_261 = arith.index_cast %mul3A_247 : i32 to index
      %swap3A_262 = tpu.vector_load %arg8[%swap3A_261] {strides = array<i32>} : memref<10000xf32, #tpu.memory_space<vmem>>, vector<16xf32>,
      tpu.vector_store %arg8[%swap3A_261], %add3A_260 {strides = array<i32>} : memref<10000xf32, #tpu.memory_space<vmem>>, vector<16xf32>,
      %get3A_263 = arith.index_cast %mul3A_247 : i32 to index
      %get3A_264 = tpu.vector_load %arg9[%get3A_263] {strides = array<i32>} : memref<10000xf32, #tpu.memory_space<vmem>>, vector<16xf32>,
      %add3A_265 = arith.addf %get3A_264, %get3A_59 : vector<16xf32>
      %swap3A_266 = arith.index_cast %mul3A_247 : i32 to index
      %swap3A_267 = tpu.vector_load %arg9[%swap3A_266] {strides = array<i32>} : memref<10000xf32, #tpu.memory_space<vmem>>, vector<16xf32>,
      tpu.vector_store %arg9[%swap3A_266], %add3A_265 {strides = array<i32>} : memref<10000xf32, #tpu.memory_space<vmem>>, vector<16xf32>,
    }
    %scan3A_87 = arith.constant 625 : i32
    %broadcast_in_dim3A = arith.constant 0x7F800000 : f32
    %broadcast_in_dim3A_88 = vector.broadcast %broadcast_in_dim3A : f32 to vector<16xf32>
    %broadcast_in_dim3A_89 = arith.constant 2147483647 : i32
    %broadcast_in_dim3A_90 = vector.broadcast %broadcast_in_dim3A_89 : i32 to vector<16xi32>
    %broadcast_in_dim3A_91 = arith.constant -2147483648 : i32
    %broadcast_in_dim3A_92 = vector.broadcast %broadcast_in_dim3A_91 : i32 to vector<16xi32>
    %iota3A = tpu.iota {dimensions = array<i32: 0>} : vector<16xi32>
    %mul3A_93 = arith.constant 3 : i32
    %mul3A_94 = vector.broadcast %mul3A_93 : i32 to vector<16xi32>
    %mul3A_95 = arith.muli %iota3A, %mul3A_94 : vector<16xi32>
    %dma_wait3A_96 = arith.constant 0 : i32
    %dma_wait3A_97 = tpu.memref_slice %arg10[%dma_wait3A_96] : memref<50400xi32, #tpu.memory_space<vmem>> -> memref<25200xi32, #tpu.memory_space<vmem>>
    %dma_wait3A_98 = arith.constant 0 : i32
    %dma_wait3A_99 = tpu.memref_slice %arg3[%dma_wait3A_98] : memref<126000xi32, #tpu.memory_space<hbm>> -> memref<25200xi32, #tpu.memory_space<hbm>>
    %dma_wait3A_100 = arith.constant 0 : i32
    %dma_wait3A_101 = tpu.memref_slice %arg10[%dma_wait3A_100] : memref<50400xi32, #tpu.memory_space<vmem>> -> memref<25200xi32, #tpu.memory_space<vmem>>
    %dma_wait3A_102 = arith.constant 0 : i32
    %dma_wait3A_103 = tpu.memref_slice %arg3[%dma_wait3A_102] : memref<126000xi32, #tpu.memory_space<hbm>> -> memref<25200xi32, #tpu.memory_space<hbm>>
    tpu.wait_dma2 semaphore(%arg14 : memref<!tpu.dma_semaphore, #tpu.memory_space<semaphore_mem>>) src(%dma_wait3A_103 : memref<25200xi32, #tpu.memory_space<hbm>>) dst(%dma_wait3A_101 : memref<25200xi32, #tpu.memory_space<vmem>>)
    %dma_start3A_104 = arith.constant 25200 : i32
    %dma_start3A_105 = tpu.memref_slice %arg10[%dma_start3A_104] : memref<50400xi32, #tpu.memory_space<vmem>> -> memref<25200xi32, #tpu.memory_space<vmem>>
    %dma_start3A_106 = arith.constant 25200 : i32
    %dma_start3A_107 = tpu.memref_slice %arg3[%dma_start3A_106] : memref<126000xi32, #tpu.memory_space<hbm>> -> memref<25200xi32, #tpu.memory_space<hbm>>
    %dma_start3A_108 = arith.constant 25200 : i32
    %dma_start3A_109 = tpu.memref_slice %arg10[%dma_start3A_108] : memref<50400xi32, #tpu.memory_space<vmem>> -> memref<25200xi32, #tpu.memory_space<vmem>>
    %dma_start3A_110 = arith.constant 25200 : i32
    %dma_start3A_111 = tpu.memref_slice %arg3[%dma_start3A_110] : memref<126000xi32, #tpu.memory_space<hbm>> -> memref<25200xi32, #tpu.memory_space<hbm>>
    tpu.enqueue_dma source(%dma_start3A_111 : memref<25200xi32, #tpu.memory_space<hbm>>) target(%dma_start3A_109 : memref<25200xi32, #tpu.memory_space<vmem>>) target_semaphore(%arg14 : memref<!tpu.dma_semaphore, #tpu.memory_space<semaphore_mem>>)
    %scan3A_112 = arith.constant 0 : i32
    %scan3A_113 = arith.constant 525 : i32
    %scan3A_114 = arith.addi %scan3A_112, %scan3A_113 : i32
    %scan3A_115 = arith.constant 1 : i32
    %scan3A_116:4 = scf.for %scan3A_245 = %scan3A_112 to %scan3A_114 step %scan3A_115 iter_args(%scan3A_246 = %broadcast_in_dim3A_88, %scan3A_247 = %broadcast_in_dim3A_88, %scan3A_248 = %broadcast_in_dim3A_88, %scan3A_249 = %broadcast_in_dim3A_88) -> (vector<16xf32>, vector<16xf32>, vector<16xf32>, vector<16xf32>)  : i32 {
      %mul3A_250 = arith.constant 48 : i32
      %mul3A_251 = arith.muli %scan3A_245, %mul3A_250 : i32
      %add3A_252 = arith.constant 0 : i32
      %add3A_253 = arith.addi %add3A_252, %mul3A_251 : i32
      %add3A_254 = arith.constant 0 : i32
      %add3A_255 = arith.addi %add3A_253, %add3A_254 : i32
      %add3A_256 = vector.broadcast %add3A_255 : i32 to vector<16xi32>
      %add3A_257 = arith.addi %mul3A_95, %add3A_256 : vector<16xi32>
      %gather3A = tpu.vector_load_idx %arg10[%add3A_257] : memref<50400xi32, #tpu.memory_space<vmem>>[vector<16xi32>], vector<16xi32>,
      %and3A = arith.andi %gather3A, %broadcast_in_dim3A_90 : vector<16xi32>
      %and3A_258 = arith.andi %gather3A, %broadcast_in_dim3A_92 : vector<16xi32>
      %add3A_259 = arith.constant 1 : i32
      %add3A_260 = arith.addi %add3A_253, %add3A_259 : i32
      %add3A_261 = vector.broadcast %add3A_260 : i32 to vector<16xi32>
      %add3A_262 = arith.addi %mul3A_95, %add3A_261 : vector<16xi32>
      %gather3A_263 = tpu.vector_load_idx %arg10[%add3A_262] : memref<50400xi32, #tpu.memory_space<vmem>>[vector<16xi32>], vector<16xi32>,
      %and3A_264 = arith.andi %gather3A_263, %broadcast_in_dim3A_90 : vector<16xi32>
      %and3A_265 = arith.andi %gather3A_263, %broadcast_in_dim3A_92 : vector<16xi32>
      %add3A_266 = arith.constant 2 : i32
      %add3A_267 = arith.addi %add3A_253, %add3A_266 : i32
      %add3A_268 = vector.broadcast %add3A_267 : i32 to vector<16xi32>
      %add3A_269 = arith.addi %mul3A_95, %add3A_268 : vector<16xi32>
      %gather3A_270 = tpu.vector_load_idx %arg10[%add3A_269] : memref<50400xi32, #tpu.memory_space<vmem>>[vector<16xi32>], vector<16xi32>,
      %and3A_271 = arith.andi %gather3A_270, %broadcast_in_dim3A_90 : vector<16xi32>
      %and3A_272 = arith.andi %gather3A_270, %broadcast_in_dim3A_92 : vector<16xi32>
      %gather3A_273 = tpu.vector_load_idx %arg6[%and3A] : memref<10000xf32, #tpu.memory_space<vmem>>[vector<16xi32>], vector<16xf32>,
      %bitcast_convert_type3A = tpu.bitcast %gather3A_273 : vector<16xf32> -> vector<16xi32>
      %xor3A = arith.xori %bitcast_convert_type3A, %and3A_258 : vector<16xi32>
      %bitcast_convert_type3A_274 = tpu.bitcast %xor3A : vector<16xi32> -> vector<16xf32>
      %gather3A_275 = tpu.vector_load_idx %arg6[%and3A_264] : memref<10000xf32, #tpu.memory_space<vmem>>[vector<16xi32>], vector<16xf32>,
      %bitcast_convert_type3A_276 = tpu.bitcast %gather3A_275 : vector<16xf32> -> vector<16xi32>
      %xor3A_277 = arith.xori %bitcast_convert_type3A_276, %and3A_265 : vector<16xi32>
      %bitcast_convert_type3A_278 = tpu.bitcast %xor3A_277 : vector<16xi32> -> vector<16xf32>
      %gather3A_279 = tpu.vector_load_idx %arg6[%and3A_271] : memref<10000xf32, #tpu.memory_space<vmem>>[vector<16xi32>], vector<16xf32>,
      %bitcast_convert_type3A_280 = tpu.bitcast %gather3A_279 : vector<16xf32> -> vector<16xi32>
      %xor3A_281 = arith.xori %bitcast_convert_type3A_280, %and3A_272 : vector<16xi32>
      %bitcast_convert_type3A_282 = tpu.bitcast %xor3A_281 : vector<16xi32> -> vector<16xf32>
      %max3A = arith.maximumf %bitcast_convert_type3A_274, %bitcast_convert_type3A_278 : vector<16xf32>
      %max3A_283 = arith.maximumf %max3A, %bitcast_convert_type3A_282 : vector<16xf32>
      %min3A = arith.minimumf %scan3A_246, %max3A_283 : vector<16xf32>
      %gather3A_284 = tpu.vector_load_idx %arg7[%and3A] : memref<10000xf32, #tpu.memory_space<vmem>>[vector<16xi32>], vector<16xf32>,
      %bitcast_convert_type3A_285 = tpu.bitcast %gather3A_284 : vector<16xf32> -> vector<16xi32>
      %xor3A_286 = arith.xori %bitcast_convert_type3A_285, %and3A_258 : vector<16xi32>
      %bitcast_convert_type3A_287 = tpu.bitcast %xor3A_286 : vector<16xi32> -> vector<16xf32>
      %gather3A_288 = tpu.vector_load_idx %arg7[%and3A_264] : memref<10000xf32, #tpu.memory_space<vmem>>[vector<16xi32>], vector<16xf32>,
      %bitcast_convert_type3A_289 = tpu.bitcast %gather3A_288 : vector<16xf32> -> vector<16xi32>
      %xor3A_290 = arith.xori %bitcast_convert_type3A_289, %and3A_265 : vector<16xi32>
      %bitcast_convert_type3A_291 = tpu.bitcast %xor3A_290 : vector<16xi32> -> vector<16xf32>
      %gather3A_292 = tpu.vector_load_idx %arg7[%and3A_271] : memref<10000xf32, #tpu.memory_space<vmem>>[vector<16xi32>], vector<16xf32>,
      %bitcast_convert_type3A_293 = tpu.bitcast %gather3A_292 : vector<16xf32> -> vector<16xi32>
      %xor3A_294 = arith.xori %bitcast_convert_type3A_293, %and3A_272 : vector<16xi32>
      %bitcast_convert_type3A_295 = tpu.bitcast %xor3A_294 : vector<16xi32> -> vector<16xf32>
      %max3A_296 = arith.maximumf %bitcast_convert_type3A_287, %bitcast_convert_type3A_291 : vector<16xf32>
      %max3A_297 = arith.maximumf %max3A_296, %bitcast_convert_type3A_295 : vector<16xf32>
      %min3A_298 = arith.minimumf %scan3A_247, %max3A_297 : vector<16xf32>
      %gather3A_299 = tpu.vector_load_idx %arg8[%and3A] : memref<10000xf32, #tpu.memory_space<vmem>>[vector<16xi32>], vector<16xf32>,
      %bitcast_convert_type3A_300 = tpu.bitcast %gather3A_299 : vector<16xf32> -> vector<16xi32>
      %xor3A_301 = arith.xori %bitcast_convert_type3A_300, %and3A_258 : vector<16xi32>
      %bitcast_convert_type3A_302 = tpu.bitcast %xor3A_301 : vector<16xi32> -> vector<16xf32>
      %gather3A_303 = tpu.vector_load_idx %arg8[%and3A_264] : memref<10000xf32, #tpu.memory_space<vmem>>[vector<16xi32>], vector<16xf32>,
      %bitcast_convert_type3A_304 = tpu.bitcast %gather3A_303 : vector<16xf32> -> vector<16xi32>
      %xor3A_305 = arith.xori %bitcast_convert_type3A_304, %and3A_265 : vector<16xi32>
      %bitcast_convert_type3A_306 = tpu.bitcast %xor3A_305 : vector<16xi32> -> vector<16xf32>
      %gather3A_307 = tpu.vector_load_idx %arg8[%and3A_271] : memref<10000xf32, #tpu.memory_space<vmem>>[vector<16xi32>], vector<16xf32>,
      %bitcast_convert_type3A_308 = tpu.bitcast %gather3A_307 : vector<16xf32> -> vector<16xi32>
      %xor3A_309 = arith.xori %bitcast_convert_type3A_308, %and3A_272 : vector<16xi32>
      %bitcast_convert_type3A_310 = tpu.bitcast %xor3A_309 : vector<16xi32> -> vector<16xf32>
      %max3A_311 = arith.maximumf %bitcast_convert_type3A_302, %bitcast_convert_type3A_306 : vector<16xf32>
      %max3A_312 = arith.maximumf %max3A_311, %bitcast_convert_type3A_310 : vector<16xf32>
      %min3A_313 = arith.minimumf %scan3A_248, %max3A_312 : vector<16xf32>
      %gather3A_314 = tpu.vector_load_idx %arg9[%and3A] : memref<10000xf32, #tpu.memory_space<vmem>>[vector<16xi32>], vector<16xf32>,
      %bitcast_convert_type3A_315 = tpu.bitcast %gather3A_314 : vector<16xf32> -> vector<16xi32>
      %xor3A_316 = arith.xori %bitcast_convert_type3A_315, %and3A_258 : vector<16xi32>
      %bitcast_convert_type3A_317 = tpu.bitcast %xor3A_316 : vector<16xi32> -> vector<16xf32>
      %gather3A_318 = tpu.vector_load_idx %arg9[%and3A_264] : memref<10000xf32, #tpu.memory_space<vmem>>[vector<16xi32>], vector<16xf32>,
      %bitcast_convert_type3A_319 = tpu.bitcast %gather3A_318 : vector<16xf32> -> vector<16xi32>
      %xor3A_320 = arith.xori %bitcast_convert_type3A_319, %and3A_265 : vector<16xi32>
      %bitcast_convert_type3A_321 = tpu.bitcast %xor3A_320 : vector<16xi32> -> vector<16xf32>
      %gather3A_322 = tpu.vector_load_idx %arg9[%and3A_271] : memref<10000xf32, #tpu.memory_space<vmem>>[vector<16xi32>], vector<16xf32>,
      %bitcast_convert_type3A_323 = tpu.bitcast %gather3A_322 : vector<16xf32> -> vector<16xi32>
      %xor3A_324 = arith.xori %bitcast_convert_type3A_323, %and3A_272 : vector<16xi32>
      %bitcast_convert_type3A_325 = tpu.bitcast %xor3A_324 : vector<16xi32> -> vector<16xf32>
      %max3A_326 = arith.maximumf %bitcast_convert_type3A_317, %bitcast_convert_type3A_321 : vector<16xf32>
      %max3A_327 = arith.maximumf %max3A_326, %bitcast_convert_type3A_325 : vector<16xf32>
      %min3A_328 = arith.minimumf %scan3A_249, %max3A_327 : vector<16xf32>
      scf.yield %min3A, %min3A_298, %min3A_313, %min3A_328 : vector<16xf32>, vector<16xf32>, vector<16xf32>, vector<16xf32>
    }
    %scan3A_117 = arith.constant 525 : i32
    %dma_wait3A_118 = arith.constant 25200 : i32
    %dma_wait3A_119 = tpu.memref_slice %arg10[%dma_wait3A_118] : memref<50400xi32, #tpu.memory_space<vmem>> -> memref<25200xi32, #tpu.memory_space<vmem>>
    %dma_wait3A_120 = arith.constant 25200 : i32
    %dma_wait3A_121 = tpu.memref_slice %arg3[%dma_wait3A_120] : memref<126000xi32, #tpu.memory_space<hbm>> -> memref<25200xi32, #tpu.memory_space<hbm>>
    %dma_wait3A_122 = arith.constant 25200 : i32
    %dma_wait3A_123 = tpu.memref_slice %arg10[%dma_wait3A_122] : memref<50400xi32, #tpu.memory_space<vmem>> -> memref<25200xi32, #tpu.memory_space<vmem>>
    %dma_wait3A_124 = arith.constant 25200 : i32
    %dma_wait3A_125 = tpu.memref_slice %arg3[%dma_wait3A_124] : memref<126000xi32, #tpu.memory_space<hbm>> -> memref<25200xi32, #tpu.memory_space<hbm>>
    tpu.wait_dma2 semaphore(%arg14 : memref<!tpu.dma_semaphore, #tpu.memory_space<semaphore_mem>>) src(%dma_wait3A_125 : memref<25200xi32, #tpu.memory_space<hbm>>) dst(%dma_wait3A_123 : memref<25200xi32, #tpu.memory_space<vmem>>)
    %dma_start3A_126 = arith.constant 0 : i32
    %dma_start3A_127 = tpu.memref_slice %arg10[%dma_start3A_126] : memref<50400xi32, #tpu.memory_space<vmem>> -> memref<25200xi32, #tpu.memory_space<vmem>>
    %dma_start3A_128 = arith.constant 50400 : i32
    %dma_start3A_129 = tpu.memref_slice %arg3[%dma_start3A_128] : memref<126000xi32, #tpu.memory_space<hbm>> -> memref<25200xi32, #tpu.memory_space<hbm>>
    %dma_start3A_130 = arith.constant 0 : i32
    %dma_start3A_131 = tpu.memref_slice %arg10[%dma_start3A_130] : memref<50400xi32, #tpu.memory_space<vmem>> -> memref<25200xi32, #tpu.memory_space<vmem>>
    %dma_start3A_132 = arith.constant 50400 : i32
    %dma_start3A_133 = tpu.memref_slice %arg3[%dma_start3A_132] : memref<126000xi32, #tpu.memory_space<hbm>> -> memref<25200xi32, #tpu.memory_space<hbm>>
    tpu.enqueue_dma source(%dma_start3A_133 : memref<25200xi32, #tpu.memory_space<hbm>>) target(%dma_start3A_131 : memref<25200xi32, #tpu.memory_space<vmem>>) target_semaphore(%arg14 : memref<!tpu.dma_semaphore, #tpu.memory_space<semaphore_mem>>)
    %scan3A_134 = arith.constant 0 : i32
    %scan3A_135 = arith.constant 525 : i32
    %scan3A_136 = arith.addi %scan3A_134, %scan3A_135 : i32
    %scan3A_137 = arith.constant 1 : i32
    %scan3A_138:4 = scf.for %scan3A_245 = %scan3A_134 to %scan3A_136 step %scan3A_137 iter_args(%scan3A_246 = %scan3A_116#0, %scan3A_247 = %scan3A_116#1, %scan3A_248 = %scan3A_116#2, %scan3A_249 = %scan3A_116#3) -> (vector<16xf32>, vector<16xf32>, vector<16xf32>, vector<16xf32>)  : i32 {
      %mul3A_250 = arith.constant 48 : i32
      %mul3A_251 = arith.muli %scan3A_245, %mul3A_250 : i32
      %add3A_252 = arith.constant 25200 : i32
      %add3A_253 = arith.addi %add3A_252, %mul3A_251 : i32
      %add3A_254 = arith.constant 0 : i32
      %add3A_255 = arith.addi %add3A_253, %add3A_254 : i32
      %add3A_256 = vector.broadcast %add3A_255 : i32 to vector<16xi32>
      %add3A_257 = arith.addi %mul3A_95, %add3A_256 : vector<16xi32>
      %gather3A = tpu.vector_load_idx %arg10[%add3A_257] : memref<50400xi32, #tpu.memory_space<vmem>>[vector<16xi32>], vector<16xi32>,
      %and3A = arith.andi %gather3A, %broadcast_in_dim3A_90 : vector<16xi32>
      %and3A_258 = arith.andi %gather3A, %broadcast_in_dim3A_92 : vector<16xi32>
      %add3A_259 = arith.constant 1 : i32
      %add3A_260 = arith.addi %add3A_253, %add3A_259 : i32
      %add3A_261 = vector.broadcast %add3A_260 : i32 to vector<16xi32>
      %add3A_262 = arith.addi %mul3A_95, %add3A_261 : vector<16xi32>
      %gather3A_263 = tpu.vector_load_idx %arg10[%add3A_262] : memref<50400xi32, #tpu.memory_space<vmem>>[vector<16xi32>], vector<16xi32>,
      %and3A_264 = arith.andi %gather3A_263, %broadcast_in_dim3A_90 : vector<16xi32>
      %and3A_265 = arith.andi %gather3A_263, %broadcast_in_dim3A_92 : vector<16xi32>
      %add3A_266 = arith.constant 2 : i32
      %add3A_267 = arith.addi %add3A_253, %add3A_266 : i32
      %add3A_268 = vector.broadcast %add3A_267 : i32 to vector<16xi32>
      %add3A_269 = arith.addi %mul3A_95, %add3A_268 : vector<16xi32>
      %gather3A_270 = tpu.vector_load_idx %arg10[%add3A_269] : memref<50400xi32, #tpu.memory_space<vmem>>[vector<16xi32>], vector<16xi32>,
      %and3A_271 = arith.andi %gather3A_270, %broadcast_in_dim3A_90 : vector<16xi32>
      %and3A_272 = arith.andi %gather3A_270, %broadcast_in_dim3A_92 : vector<16xi32>
      %gather3A_273 = tpu.vector_load_idx %arg6[%and3A] : memref<10000xf32, #tpu.memory_space<vmem>>[vector<16xi32>], vector<16xf32>,
      %bitcast_convert_type3A = tpu.bitcast %gather3A_273 : vector<16xf32> -> vector<16xi32>
      %xor3A = arith.xori %bitcast_convert_type3A, %and3A_258 : vector<16xi32>
      %bitcast_convert_type3A_274 = tpu.bitcast %xor3A : vector<16xi32> -> vector<16xf32>
      %gather3A_275 = tpu.vector_load_idx %arg6[%and3A_264] : memref<10000xf32, #tpu.memory_space<vmem>>[vector<16xi32>], vector<16xf32>,
      %bitcast_convert_type3A_276 = tpu.bitcast %gather3A_275 : vector<16xf32> -> vector<16xi32>
      %xor3A_277 = arith.xori %bitcast_convert_type3A_276, %and3A_265 : vector<16xi32>
      %bitcast_convert_type3A_278 = tpu.bitcast %xor3A_277 : vector<16xi32> -> vector<16xf32>
      %gather3A_279 = tpu.vector_load_idx %arg6[%and3A_271] : memref<10000xf32, #tpu.memory_space<vmem>>[vector<16xi32>], vector<16xf32>,
      %bitcast_convert_type3A_280 = tpu.bitcast %gather3A_279 : vector<16xf32> -> vector<16xi32>
      %xor3A_281 = arith.xori %bitcast_convert_type3A_280, %and3A_272 : vector<16xi32>
      %bitcast_convert_type3A_282 = tpu.bitcast %xor3A_281 : vector<16xi32> -> vector<16xf32>
      %max3A = arith.maximumf %bitcast_convert_type3A_274, %bitcast_convert_type3A_278 : vector<16xf32>
      %max3A_283 = arith.maximumf %max3A, %bitcast_convert_type3A_282 : vector<16xf32>
      %min3A = arith.minimumf %scan3A_246, %max3A_283 : vector<16xf32>
      %gather3A_284 = tpu.vector_load_idx %arg7[%and3A] : memref<10000xf32, #tpu.memory_space<vmem>>[vector<16xi32>], vector<16xf32>,
      %bitcast_convert_type3A_285 = tpu.bitcast %gather3A_284 : vector<16xf32> -> vector<16xi32>
      %xor3A_286 = arith.xori %bitcast_convert_type3A_285, %and3A_258 : vector<16xi32>
      %bitcast_convert_type3A_287 = tpu.bitcast %xor3A_286 : vector<16xi32> -> vector<16xf32>
      %gather3A_288 = tpu.vector_load_idx %arg7[%and3A_264] : memref<10000xf32, #tpu.memory_space<vmem>>[vector<16xi32>], vector<16xf32>,
      %bitcast_convert_type3A_289 = tpu.bitcast %gather3A_288 : vector<16xf32> -> vector<16xi32>
      %xor3A_290 = arith.xori %bitcast_convert_type3A_289, %and3A_265 : vector<16xi32>
      %bitcast_convert_type3A_291 = tpu.bitcast %xor3A_290 : vector<16xi32> -> vector<16xf32>
      %gather3A_292 = tpu.vector_load_idx %arg7[%and3A_271] : memref<10000xf32, #tpu.memory_space<vmem>>[vector<16xi32>], vector<16xf32>,
      %bitcast_convert_type3A_293 = tpu.bitcast %gather3A_292 : vector<16xf32> -> vector<16xi32>
      %xor3A_294 = arith.xori %bitcast_convert_type3A_293, %and3A_272 : vector<16xi32>
      %bitcast_convert_type3A_295 = tpu.bitcast %xor3A_294 : vector<16xi32> -> vector<16xf32>
      %max3A_296 = arith.maximumf %bitcast_convert_type3A_287, %bitcast_convert_type3A_291 : vector<16xf32>
      %max3A_297 = arith.maximumf %max3A_296, %bitcast_convert_type3A_295 : vector<16xf32>
      %min3A_298 = arith.minimumf %scan3A_247, %max3A_297 : vector<16xf32>
      %gather3A_299 = tpu.vector_load_idx %arg8[%and3A] : memref<10000xf32, #tpu.memory_space<vmem>>[vector<16xi32>], vector<16xf32>,
      %bitcast_convert_type3A_300 = tpu.bitcast %gather3A_299 : vector<16xf32> -> vector<16xi32>
      %xor3A_301 = arith.xori %bitcast_convert_type3A_300, %and3A_258 : vector<16xi32>
      %bitcast_convert_type3A_302 = tpu.bitcast %xor3A_301 : vector<16xi32> -> vector<16xf32>
      %gather3A_303 = tpu.vector_load_idx %arg8[%and3A_264] : memref<10000xf32, #tpu.memory_space<vmem>>[vector<16xi32>], vector<16xf32>,
      %bitcast_convert_type3A_304 = tpu.bitcast %gather3A_303 : vector<16xf32> -> vector<16xi32>
      %xor3A_305 = arith.xori %bitcast_convert_type3A_304, %and3A_265 : vector<16xi32>
      %bitcast_convert_type3A_306 = tpu.bitcast %xor3A_305 : vector<16xi32> -> vector<16xf32>
      %gather3A_307 = tpu.vector_load_idx %arg8[%and3A_271] : memref<10000xf32, #tpu.memory_space<vmem>>[vector<16xi32>], vector<16xf32>,
      %bitcast_convert_type3A_308 = tpu.bitcast %gather3A_307 : vector<16xf32> -> vector<16xi32>
      %xor3A_309 = arith.xori %bitcast_convert_type3A_308, %and3A_272 : vector<16xi32>
      %bitcast_convert_type3A_310 = tpu.bitcast %xor3A_309 : vector<16xi32> -> vector<16xf32>
      %max3A_311 = arith.maximumf %bitcast_convert_type3A_302, %bitcast_convert_type3A_306 : vector<16xf32>
      %max3A_312 = arith.maximumf %max3A_311, %bitcast_convert_type3A_310 : vector<16xf32>
      %min3A_313 = arith.minimumf %scan3A_248, %max3A_312 : vector<16xf32>
      %gather3A_314 = tpu.vector_load_idx %arg9[%and3A] : memref<10000xf32, #tpu.memory_space<vmem>>[vector<16xi32>], vector<16xf32>,
      %bitcast_convert_type3A_315 = tpu.bitcast %gather3A_314 : vector<16xf32> -> vector<16xi32>
      %xor3A_316 = arith.xori %bitcast_convert_type3A_315, %and3A_258 : vector<16xi32>
      %bitcast_convert_type3A_317 = tpu.bitcast %xor3A_316 : vector<16xi32> -> vector<16xf32>
      %gather3A_318 = tpu.vector_load_idx %arg9[%and3A_264] : memref<10000xf32, #tpu.memory_space<vmem>>[vector<16xi32>], vector<16xf32>,
      %bitcast_convert_type3A_319 = tpu.bitcast %gather3A_318 : vector<16xf32> -> vector<16xi32>
      %xor3A_320 = arith.xori %bitcast_convert_type3A_319, %and3A_265 : vector<16xi32>
      %bitcast_convert_type3A_321 = tpu.bitcast %xor3A_320 : vector<16xi32> -> vector<16xf32>
      %gather3A_322 = tpu.vector_load_idx %arg9[%and3A_271] : memref<10000xf32, #tpu.memory_space<vmem>>[vector<16xi32>], vector<16xf32>,
      %bitcast_convert_type3A_323 = tpu.bitcast %gather3A_322 : vector<16xf32> -> vector<16xi32>
      %xor3A_324 = arith.xori %bitcast_convert_type3A_323, %and3A_272 : vector<16xi32>
      %bitcast_convert_type3A_325 = tpu.bitcast %xor3A_324 : vector<16xi32> -> vector<16xf32>
      %max3A_326 = arith.maximumf %bitcast_convert_type3A_317, %bitcast_convert_type3A_321 : vector<16xf32>
      %max3A_327 = arith.maximumf %max3A_326, %bitcast_convert_type3A_325 : vector<16xf32>
      %min3A_328 = arith.minimumf %scan3A_249, %max3A_327 : vector<16xf32>
      scf.yield %min3A, %min3A_298, %min3A_313, %min3A_328 : vector<16xf32>, vector<16xf32>, vector<16xf32>, vector<16xf32>
    }
    %scan3A_139 = arith.constant 525 : i32
    %dma_wait3A_140 = arith.constant 0 : i32
    %dma_wait3A_141 = tpu.memref_slice %arg10[%dma_wait3A_140] : memref<50400xi32, #tpu.memory_space<vmem>> -> memref<25200xi32, #tpu.memory_space<vmem>>
    %dma_wait3A_142 = arith.constant 50400 : i32
    %dma_wait3A_143 = tpu.memref_slice %arg3[%dma_wait3A_142] : memref<126000xi32, #tpu.memory_space<hbm>> -> memref<25200xi32, #tpu.memory_space<hbm>>
    %dma_wait3A_144 = arith.constant 0 : i32
    %dma_wait3A_145 = tpu.memref_slice %arg10[%dma_wait3A_144] : memref<50400xi32, #tpu.memory_space<vmem>> -> memref<25200xi32, #tpu.memory_space<vmem>>
    %dma_wait3A_146 = arith.constant 50400 : i32
    %dma_wait3A_147 = tpu.memref_slice %arg3[%dma_wait3A_146] : memref<126000xi32, #tpu.memory_space<hbm>> -> memref<25200xi32, #tpu.memory_space<hbm>>
    tpu.wait_dma2 semaphore(%arg14 : memref<!tpu.dma_semaphore, #tpu.memory_space<semaphore_mem>>) src(%dma_wait3A_147 : memref<25200xi32, #tpu.memory_space<hbm>>) dst(%dma_wait3A_145 : memref<25200xi32, #tpu.memory_space<vmem>>)
    %dma_start3A_148 = arith.constant 25200 : i32
    %dma_start3A_149 = tpu.memref_slice %arg10[%dma_start3A_148] : memref<50400xi32, #tpu.memory_space<vmem>> -> memref<25200xi32, #tpu.memory_space<vmem>>
    %dma_start3A_150 = arith.constant 75600 : i32
    %dma_start3A_151 = tpu.memref_slice %arg3[%dma_start3A_150] : memref<126000xi32, #tpu.memory_space<hbm>> -> memref<25200xi32, #tpu.memory_space<hbm>>
    %dma_start3A_152 = arith.constant 25200 : i32
    %dma_start3A_153 = tpu.memref_slice %arg10[%dma_start3A_152] : memref<50400xi32, #tpu.memory_space<vmem>> -> memref<25200xi32, #tpu.memory_space<vmem>>
    %dma_start3A_154 = arith.constant 75600 : i32
    %dma_start3A_155 = tpu.memref_slice %arg3[%dma_start3A_154] : memref<126000xi32, #tpu.memory_space<hbm>> -> memref<25200xi32, #tpu.memory_space<hbm>>
    tpu.enqueue_dma source(%dma_start3A_155 : memref<25200xi32, #tpu.memory_space<hbm>>) target(%dma_start3A_153 : memref<25200xi32, #tpu.memory_space<vmem>>) target_semaphore(%arg14 : memref<!tpu.dma_semaphore, #tpu.memory_space<semaphore_mem>>)
    %scan3A_156 = arith.constant 0 : i32
    %scan3A_157 = arith.constant 525 : i32
    %scan3A_158 = arith.addi %scan3A_156, %scan3A_157 : i32
    %scan3A_159 = arith.constant 1 : i32
    %scan3A_160:4 = scf.for %scan3A_245 = %scan3A_156 to %scan3A_158 step %scan3A_159 iter_args(%scan3A_246 = %scan3A_138#0, %scan3A_247 = %scan3A_138#1, %scan3A_248 = %scan3A_138#2, %scan3A_249 = %scan3A_138#3) -> (vector<16xf32>, vector<16xf32>, vector<16xf32>, vector<16xf32>)  : i32 {
      %mul3A_250 = arith.constant 48 : i32
      %mul3A_251 = arith.muli %scan3A_245, %mul3A_250 : i32
      %add3A_252 = arith.constant 0 : i32
      %add3A_253 = arith.addi %add3A_252, %mul3A_251 : i32
      %add3A_254 = arith.constant 0 : i32
      %add3A_255 = arith.addi %add3A_253, %add3A_254 : i32
      %add3A_256 = vector.broadcast %add3A_255 : i32 to vector<16xi32>
      %add3A_257 = arith.addi %mul3A_95, %add3A_256 : vector<16xi32>
      %gather3A = tpu.vector_load_idx %arg10[%add3A_257] : memref<50400xi32, #tpu.memory_space<vmem>>[vector<16xi32>], vector<16xi32>,
      %and3A = arith.andi %gather3A, %broadcast_in_dim3A_90 : vector<16xi32>
      %and3A_258 = arith.andi %gather3A, %broadcast_in_dim3A_92 : vector<16xi32>
      %add3A_259 = arith.constant 1 : i32
      %add3A_260 = arith.addi %add3A_253, %add3A_259 : i32
      %add3A_261 = vector.broadcast %add3A_260 : i32 to vector<16xi32>
      %add3A_262 = arith.addi %mul3A_95, %add3A_261 : vector<16xi32>
      %gather3A_263 = tpu.vector_load_idx %arg10[%add3A_262] : memref<50400xi32, #tpu.memory_space<vmem>>[vector<16xi32>], vector<16xi32>,
      %and3A_264 = arith.andi %gather3A_263, %broadcast_in_dim3A_90 : vector<16xi32>
      %and3A_265 = arith.andi %gather3A_263, %broadcast_in_dim3A_92 : vector<16xi32>
      %add3A_266 = arith.constant 2 : i32
      %add3A_267 = arith.addi %add3A_253, %add3A_266 : i32
      %add3A_268 = vector.broadcast %add3A_267 : i32 to vector<16xi32>
      %add3A_269 = arith.addi %mul3A_95, %add3A_268 : vector<16xi32>
      %gather3A_270 = tpu.vector_load_idx %arg10[%add3A_269] : memref<50400xi32, #tpu.memory_space<vmem>>[vector<16xi32>], vector<16xi32>,
      %and3A_271 = arith.andi %gather3A_270, %broadcast_in_dim3A_90 : vector<16xi32>
      %and3A_272 = arith.andi %gather3A_270, %broadcast_in_dim3A_92 : vector<16xi32>
      %gather3A_273 = tpu.vector_load_idx %arg6[%and3A] : memref<10000xf32, #tpu.memory_space<vmem>>[vector<16xi32>], vector<16xf32>,
      %bitcast_convert_type3A = tpu.bitcast %gather3A_273 : vector<16xf32> -> vector<16xi32>
      %xor3A = arith.xori %bitcast_convert_type3A, %and3A_258 : vector<16xi32>
      %bitcast_convert_type3A_274 = tpu.bitcast %xor3A : vector<16xi32> -> vector<16xf32>
      %gather3A_275 = tpu.vector_load_idx %arg6[%and3A_264] : memref<10000xf32, #tpu.memory_space<vmem>>[vector<16xi32>], vector<16xf32>,
      %bitcast_convert_type3A_276 = tpu.bitcast %gather3A_275 : vector<16xf32> -> vector<16xi32>
      %xor3A_277 = arith.xori %bitcast_convert_type3A_276, %and3A_265 : vector<16xi32>
      %bitcast_convert_type3A_278 = tpu.bitcast %xor3A_277 : vector<16xi32> -> vector<16xf32>
      %gather3A_279 = tpu.vector_load_idx %arg6[%and3A_271] : memref<10000xf32, #tpu.memory_space<vmem>>[vector<16xi32>], vector<16xf32>,
      %bitcast_convert_type3A_280 = tpu.bitcast %gather3A_279 : vector<16xf32> -> vector<16xi32>
      %xor3A_281 = arith.xori %bitcast_convert_type3A_280, %and3A_272 : vector<16xi32>
      %bitcast_convert_type3A_282 = tpu.bitcast %xor3A_281 : vector<16xi32> -> vector<16xf32>
      %max3A = arith.maximumf %bitcast_convert_type3A_274, %bitcast_convert_type3A_278 : vector<16xf32>
      %max3A_283 = arith.maximumf %max3A, %bitcast_convert_type3A_282 : vector<16xf32>
      %min3A = arith.minimumf %scan3A_246, %max3A_283 : vector<16xf32>
      %gather3A_284 = tpu.vector_load_idx %arg7[%and3A] : memref<10000xf32, #tpu.memory_space<vmem>>[vector<16xi32>], vector<16xf32>,
      %bitcast_convert_type3A_285 = tpu.bitcast %gather3A_284 : vector<16xf32> -> vector<16xi32>
      %xor3A_286 = arith.xori %bitcast_convert_type3A_285, %and3A_258 : vector<16xi32>
      %bitcast_convert_type3A_287 = tpu.bitcast %xor3A_286 : vector<16xi32> -> vector<16xf32>
      %gather3A_288 = tpu.vector_load_idx %arg7[%and3A_264] : memref<10000xf32, #tpu.memory_space<vmem>>[vector<16xi32>], vector<16xf32>,
      %bitcast_convert_type3A_289 = tpu.bitcast %gather3A_288 : vector<16xf32> -> vector<16xi32>
      %xor3A_290 = arith.xori %bitcast_convert_type3A_289, %and3A_265 : vector<16xi32>
      %bitcast_convert_type3A_291 = tpu.bitcast %xor3A_290 : vector<16xi32> -> vector<16xf32>
      %gather3A_292 = tpu.vector_load_idx %arg7[%and3A_271] : memref<10000xf32, #tpu.memory_space<vmem>>[vector<16xi32>], vector<16xf32>,
      %bitcast_convert_type3A_293 = tpu.bitcast %gather3A_292 : vector<16xf32> -> vector<16xi32>
      %xor3A_294 = arith.xori %bitcast_convert_type3A_293, %and3A_272 : vector<16xi32>
      %bitcast_convert_type3A_295 = tpu.bitcast %xor3A_294 : vector<16xi32> -> vector<16xf32>
      %max3A_296 = arith.maximumf %bitcast_convert_type3A_287, %bitcast_convert_type3A_291 : vector<16xf32>
      %max3A_297 = arith.maximumf %max3A_296, %bitcast_convert_type3A_295 : vector<16xf32>
      %min3A_298 = arith.minimumf %scan3A_247, %max3A_297 : vector<16xf32>
      %gather3A_299 = tpu.vector_load_idx %arg8[%and3A] : memref<10000xf32, #tpu.memory_space<vmem>>[vector<16xi32>], vector<16xf32>,
      %bitcast_convert_type3A_300 = tpu.bitcast %gather3A_299 : vector<16xf32> -> vector<16xi32>
      %xor3A_301 = arith.xori %bitcast_convert_type3A_300, %and3A_258 : vector<16xi32>
      %bitcast_convert_type3A_302 = tpu.bitcast %xor3A_301 : vector<16xi32> -> vector<16xf32>
      %gather3A_303 = tpu.vector_load_idx %arg8[%and3A_264] : memref<10000xf32, #tpu.memory_space<vmem>>[vector<16xi32>], vector<16xf32>,
      %bitcast_convert_type3A_304 = tpu.bitcast %gather3A_303 : vector<16xf32> -> vector<16xi32>
      %xor3A_305 = arith.xori %bitcast_convert_type3A_304, %and3A_265 : vector<16xi32>
      %bitcast_convert_type3A_306 = tpu.bitcast %xor3A_305 : vector<16xi32> -> vector<16xf32>
      %gather3A_307 = tpu.vector_load_idx %arg8[%and3A_271] : memref<10000xf32, #tpu.memory_space<vmem>>[vector<16xi32>], vector<16xf32>,
      %bitcast_convert_type3A_308 = tpu.bitcast %gather3A_307 : vector<16xf32> -> vector<16xi32>
      %xor3A_309 = arith.xori %bitcast_convert_type3A_308, %and3A_272 : vector<16xi32>
      %bitcast_convert_type3A_310 = tpu.bitcast %xor3A_309 : vector<16xi32> -> vector<16xf32>
      %max3A_311 = arith.maximumf %bitcast_convert_type3A_302, %bitcast_convert_type3A_306 : vector<16xf32>
      %max3A_312 = arith.maximumf %max3A_311, %bitcast_convert_type3A_310 : vector<16xf32>
      %min3A_313 = arith.minimumf %scan3A_248, %max3A_312 : vector<16xf32>
      %gather3A_314 = tpu.vector_load_idx %arg9[%and3A] : memref<10000xf32, #tpu.memory_space<vmem>>[vector<16xi32>], vector<16xf32>,
      %bitcast_convert_type3A_315 = tpu.bitcast %gather3A_314 : vector<16xf32> -> vector<16xi32>
      %xor3A_316 = arith.xori %bitcast_convert_type3A_315, %and3A_258 : vector<16xi32>
      %bitcast_convert_type3A_317 = tpu.bitcast %xor3A_316 : vector<16xi32> -> vector<16xf32>
      %gather3A_318 = tpu.vector_load_idx %arg9[%and3A_264] : memref<10000xf32, #tpu.memory_space<vmem>>[vector<16xi32>], vector<16xf32>,
      %bitcast_convert_type3A_319 = tpu.bitcast %gather3A_318 : vector<16xf32> -> vector<16xi32>
      %xor3A_320 = arith.xori %bitcast_convert_type3A_319, %and3A_265 : vector<16xi32>
      %bitcast_convert_type3A_321 = tpu.bitcast %xor3A_320 : vector<16xi32> -> vector<16xf32>
      %gather3A_322 = tpu.vector_load_idx %arg9[%and3A_271] : memref<10000xf32, #tpu.memory_space<vmem>>[vector<16xi32>], vector<16xf32>,
      %bitcast_convert_type3A_323 = tpu.bitcast %gather3A_322 : vector<16xf32> -> vector<16xi32>
      %xor3A_324 = arith.xori %bitcast_convert_type3A_323, %and3A_272 : vector<16xi32>
      %bitcast_convert_type3A_325 = tpu.bitcast %xor3A_324 : vector<16xi32> -> vector<16xf32>
      %max3A_326 = arith.maximumf %bitcast_convert_type3A_317, %bitcast_convert_type3A_321 : vector<16xf32>
      %max3A_327 = arith.maximumf %max3A_326, %bitcast_convert_type3A_325 : vector<16xf32>
      %min3A_328 = arith.minimumf %scan3A_249, %max3A_327 : vector<16xf32>
      scf.yield %min3A, %min3A_298, %min3A_313, %min3A_328 : vector<16xf32>, vector<16xf32>, vector<16xf32>, vector<16xf32>
    }
    %scan3A_161 = arith.constant 525 : i32
    %dma_wait3A_162 = arith.constant 25200 : i32
    %dma_wait3A_163 = tpu.memref_slice %arg10[%dma_wait3A_162] : memref<50400xi32, #tpu.memory_space<vmem>> -> memref<25200xi32, #tpu.memory_space<vmem>>
    %dma_wait3A_164 = arith.constant 75600 : i32
    %dma_wait3A_165 = tpu.memref_slice %arg3[%dma_wait3A_164] : memref<126000xi32, #tpu.memory_space<hbm>> -> memref<25200xi32, #tpu.memory_space<hbm>>
    %dma_wait3A_166 = arith.constant 25200 : i32
    %dma_wait3A_167 = tpu.memref_slice %arg10[%dma_wait3A_166] : memref<50400xi32, #tpu.memory_space<vmem>> -> memref<25200xi32, #tpu.memory_space<vmem>>
    %dma_wait3A_168 = arith.constant 75600 : i32
    %dma_wait3A_169 = tpu.memref_slice %arg3[%dma_wait3A_168] : memref<126000xi32, #tpu.memory_space<hbm>> -> memref<25200xi32, #tpu.memory_space<hbm>>
    tpu.wait_dma2 semaphore(%arg14 : memref<!tpu.dma_semaphore, #tpu.memory_space<semaphore_mem>>) src(%dma_wait3A_169 : memref<25200xi32, #tpu.memory_space<hbm>>) dst(%dma_wait3A_167 : memref<25200xi32, #tpu.memory_space<vmem>>)
    %dma_start3A_170 = arith.constant 0 : i32
    %dma_start3A_171 = tpu.memref_slice %arg10[%dma_start3A_170] : memref<50400xi32, #tpu.memory_space<vmem>> -> memref<25200xi32, #tpu.memory_space<vmem>>
    %dma_start3A_172 = arith.constant 100800 : i32
    %dma_start3A_173 = tpu.memref_slice %arg3[%dma_start3A_172] : memref<126000xi32, #tpu.memory_space<hbm>> -> memref<25200xi32, #tpu.memory_space<hbm>>
    %dma_start3A_174 = arith.constant 0 : i32
    %dma_start3A_175 = tpu.memref_slice %arg10[%dma_start3A_174] : memref<50400xi32, #tpu.memory_space<vmem>> -> memref<25200xi32, #tpu.memory_space<vmem>>
    %dma_start3A_176 = arith.constant 100800 : i32
    %dma_start3A_177 = tpu.memref_slice %arg3[%dma_start3A_176] : memref<126000xi32, #tpu.memory_space<hbm>> -> memref<25200xi32, #tpu.memory_space<hbm>>
    tpu.enqueue_dma source(%dma_start3A_177 : memref<25200xi32, #tpu.memory_space<hbm>>) target(%dma_start3A_175 : memref<25200xi32, #tpu.memory_space<vmem>>) target_semaphore(%arg14 : memref<!tpu.dma_semaphore, #tpu.memory_space<semaphore_mem>>)
    %scan3A_178 = arith.constant 0 : i32
    %scan3A_179 = arith.constant 525 : i32
    %scan3A_180 = arith.addi %scan3A_178, %scan3A_179 : i32
    %scan3A_181 = arith.constant 1 : i32
    %scan3A_182:4 = scf.for %scan3A_245 = %scan3A_178 to %scan3A_180 step %scan3A_181 iter_args(%scan3A_246 = %scan3A_160#0, %scan3A_247 = %scan3A_160#1, %scan3A_248 = %scan3A_160#2, %scan3A_249 = %scan3A_160#3) -> (vector<16xf32>, vector<16xf32>, vector<16xf32>, vector<16xf32>)  : i32 {
      %mul3A_250 = arith.constant 48 : i32
      %mul3A_251 = arith.muli %scan3A_245, %mul3A_250 : i32
      %add3A_252 = arith.constant 25200 : i32
      %add3A_253 = arith.addi %add3A_252, %mul3A_251 : i32
      %add3A_254 = arith.constant 0 : i32
      %add3A_255 = arith.addi %add3A_253, %add3A_254 : i32
      %add3A_256 = vector.broadcast %add3A_255 : i32 to vector<16xi32>
      %add3A_257 = arith.addi %mul3A_95, %add3A_256 : vector<16xi32>
      %gather3A = tpu.vector_load_idx %arg10[%add3A_257] : memref<50400xi32, #tpu.memory_space<vmem>>[vector<16xi32>], vector<16xi32>,
      %and3A = arith.andi %gather3A, %broadcast_in_dim3A_90 : vector<16xi32>
      %and3A_258 = arith.andi %gather3A, %broadcast_in_dim3A_92 : vector<16xi32>
      %add3A_259 = arith.constant 1 : i32
      %add3A_260 = arith.addi %add3A_253, %add3A_259 : i32
      %add3A_261 = vector.broadcast %add3A_260 : i32 to vector<16xi32>
      %add3A_262 = arith.addi %mul3A_95, %add3A_261 : vector<16xi32>
      %gather3A_263 = tpu.vector_load_idx %arg10[%add3A_262] : memref<50400xi32, #tpu.memory_space<vmem>>[vector<16xi32>], vector<16xi32>,
      %and3A_264 = arith.andi %gather3A_263, %broadcast_in_dim3A_90 : vector<16xi32>
      %and3A_265 = arith.andi %gather3A_263, %broadcast_in_dim3A_92 : vector<16xi32>
      %add3A_266 = arith.constant 2 : i32
      %add3A_267 = arith.addi %add3A_253, %add3A_266 : i32
      %add3A_268 = vector.broadcast %add3A_267 : i32 to vector<16xi32>
      %add3A_269 = arith.addi %mul3A_95, %add3A_268 : vector<16xi32>
      %gather3A_270 = tpu.vector_load_idx %arg10[%add3A_269] : memref<50400xi32, #tpu.memory_space<vmem>>[vector<16xi32>], vector<16xi32>,
      %and3A_271 = arith.andi %gather3A_270, %broadcast_in_dim3A_90 : vector<16xi32>
      %and3A_272 = arith.andi %gather3A_270, %broadcast_in_dim3A_92 : vector<16xi32>
      %gather3A_273 = tpu.vector_load_idx %arg6[%and3A] : memref<10000xf32, #tpu.memory_space<vmem>>[vector<16xi32>], vector<16xf32>,
      %bitcast_convert_type3A = tpu.bitcast %gather3A_273 : vector<16xf32> -> vector<16xi32>
      %xor3A = arith.xori %bitcast_convert_type3A, %and3A_258 : vector<16xi32>
      %bitcast_convert_type3A_274 = tpu.bitcast %xor3A : vector<16xi32> -> vector<16xf32>
      %gather3A_275 = tpu.vector_load_idx %arg6[%and3A_264] : memref<10000xf32, #tpu.memory_space<vmem>>[vector<16xi32>], vector<16xf32>,
      %bitcast_convert_type3A_276 = tpu.bitcast %gather3A_275 : vector<16xf32> -> vector<16xi32>
      %xor3A_277 = arith.xori %bitcast_convert_type3A_276, %and3A_265 : vector<16xi32>
      %bitcast_convert_type3A_278 = tpu.bitcast %xor3A_277 : vector<16xi32> -> vector<16xf32>
      %gather3A_279 = tpu.vector_load_idx %arg6[%and3A_271] : memref<10000xf32, #tpu.memory_space<vmem>>[vector<16xi32>], vector<16xf32>,
      %bitcast_convert_type3A_280 = tpu.bitcast %gather3A_279 : vector<16xf32> -> vector<16xi32>
      %xor3A_281 = arith.xori %bitcast_convert_type3A_280, %and3A_272 : vector<16xi32>
      %bitcast_convert_type3A_282 = tpu.bitcast %xor3A_281 : vector<16xi32> -> vector<16xf32>
      %max3A = arith.maximumf %bitcast_convert_type3A_274, %bitcast_convert_type3A_278 : vector<16xf32>
      %max3A_283 = arith.maximumf %max3A, %bitcast_convert_type3A_282 : vector<16xf32>
      %min3A = arith.minimumf %scan3A_246, %max3A_283 : vector<16xf32>
      %gather3A_284 = tpu.vector_load_idx %arg7[%and3A] : memref<10000xf32, #tpu.memory_space<vmem>>[vector<16xi32>], vector<16xf32>,
      %bitcast_convert_type3A_285 = tpu.bitcast %gather3A_284 : vector<16xf32> -> vector<16xi32>
      %xor3A_286 = arith.xori %bitcast_convert_type3A_285, %and3A_258 : vector<16xi32>
      %bitcast_convert_type3A_287 = tpu.bitcast %xor3A_286 : vector<16xi32> -> vector<16xf32>
      %gather3A_288 = tpu.vector_load_idx %arg7[%and3A_264] : memref<10000xf32, #tpu.memory_space<vmem>>[vector<16xi32>], vector<16xf32>,
      %bitcast_convert_type3A_289 = tpu.bitcast %gather3A_288 : vector<16xf32> -> vector<16xi32>
      %xor3A_290 = arith.xori %bitcast_convert_type3A_289, %and3A_265 : vector<16xi32>
      %bitcast_convert_type3A_291 = tpu.bitcast %xor3A_290 : vector<16xi32> -> vector<16xf32>
      %gather3A_292 = tpu.vector_load_idx %arg7[%and3A_271] : memref<10000xf32, #tpu.memory_space<vmem>>[vector<16xi32>], vector<16xf32>,
      %bitcast_convert_type3A_293 = tpu.bitcast %gather3A_292 : vector<16xf32> -> vector<16xi32>
      %xor3A_294 = arith.xori %bitcast_convert_type3A_293, %and3A_272 : vector<16xi32>
      %bitcast_convert_type3A_295 = tpu.bitcast %xor3A_294 : vector<16xi32> -> vector<16xf32>
      %max3A_296 = arith.maximumf %bitcast_convert_type3A_287, %bitcast_convert_type3A_291 : vector<16xf32>
      %max3A_297 = arith.maximumf %max3A_296, %bitcast_convert_type3A_295 : vector<16xf32>
      %min3A_298 = arith.minimumf %scan3A_247, %max3A_297 : vector<16xf32>
      %gather3A_299 = tpu.vector_load_idx %arg8[%and3A] : memref<10000xf32, #tpu.memory_space<vmem>>[vector<16xi32>], vector<16xf32>,
      %bitcast_convert_type3A_300 = tpu.bitcast %gather3A_299 : vector<16xf32> -> vector<16xi32>
      %xor3A_301 = arith.xori %bitcast_convert_type3A_300, %and3A_258 : vector<16xi32>
      %bitcast_convert_type3A_302 = tpu.bitcast %xor3A_301 : vector<16xi32> -> vector<16xf32>
      %gather3A_303 = tpu.vector_load_idx %arg8[%and3A_264] : memref<10000xf32, #tpu.memory_space<vmem>>[vector<16xi32>], vector<16xf32>,
      %bitcast_convert_type3A_304 = tpu.bitcast %gather3A_303 : vector<16xf32> -> vector<16xi32>
      %xor3A_305 = arith.xori %bitcast_convert_type3A_304, %and3A_265 : vector<16xi32>
      %bitcast_convert_type3A_306 = tpu.bitcast %xor3A_305 : vector<16xi32> -> vector<16xf32>
      %gather3A_307 = tpu.vector_load_idx %arg8[%and3A_271] : memref<10000xf32, #tpu.memory_space<vmem>>[vector<16xi32>], vector<16xf32>,
      %bitcast_convert_type3A_308 = tpu.bitcast %gather3A_307 : vector<16xf32> -> vector<16xi32>
      %xor3A_309 = arith.xori %bitcast_convert_type3A_308, %and3A_272 : vector<16xi32>
      %bitcast_convert_type3A_310 = tpu.bitcast %xor3A_309 : vector<16xi32> -> vector<16xf32>
      %max3A_311 = arith.maximumf %bitcast_convert_type3A_302, %bitcast_convert_type3A_306 : vector<16xf32>
      %max3A_312 = arith.maximumf %max3A_311, %bitcast_convert_type3A_310 : vector<16xf32>
      %min3A_313 = arith.minimumf %scan3A_248, %max3A_312 : vector<16xf32>
      %gather3A_314 = tpu.vector_load_idx %arg9[%and3A] : memref<10000xf32, #tpu.memory_space<vmem>>[vector<16xi32>], vector<16xf32>,
      %bitcast_convert_type3A_315 = tpu.bitcast %gather3A_314 : vector<16xf32> -> vector<16xi32>
      %xor3A_316 = arith.xori %bitcast_convert_type3A_315, %and3A_258 : vector<16xi32>
      %bitcast_convert_type3A_317 = tpu.bitcast %xor3A_316 : vector<16xi32> -> vector<16xf32>
      %gather3A_318 = tpu.vector_load_idx %arg9[%and3A_264] : memref<10000xf32, #tpu.memory_space<vmem>>[vector<16xi32>], vector<16xf32>,
      %bitcast_convert_type3A_319 = tpu.bitcast %gather3A_318 : vector<16xf32> -> vector<16xi32>
      %xor3A_320 = arith.xori %bitcast_convert_type3A_319, %and3A_265 : vector<16xi32>
      %bitcast_convert_type3A_321 = tpu.bitcast %xor3A_320 : vector<16xi32> -> vector<16xf32>
      %gather3A_322 = tpu.vector_load_idx %arg9[%and3A_271] : memref<10000xf32, #tpu.memory_space<vmem>>[vector<16xi32>], vector<16xf32>,
      %bitcast_convert_type3A_323 = tpu.bitcast %gather3A_322 : vector<16xf32> -> vector<16xi32>
      %xor3A_324 = arith.xori %bitcast_convert_type3A_323, %and3A_272 : vector<16xi32>
      %bitcast_convert_type3A_325 = tpu.bitcast %xor3A_324 : vector<16xi32> -> vector<16xf32>
      %max3A_326 = arith.maximumf %bitcast_convert_type3A_317, %bitcast_convert_type3A_321 : vector<16xf32>
      %max3A_327 = arith.maximumf %max3A_326, %bitcast_convert_type3A_325 : vector<16xf32>
      %min3A_328 = arith.minimumf %scan3A_249, %max3A_327 : vector<16xf32>
      scf.yield %min3A, %min3A_298, %min3A_313, %min3A_328 : vector<16xf32>, vector<16xf32>, vector<16xf32>, vector<16xf32>
    }
    %scan3A_183 = arith.constant 525 : i32
    %dma_wait3A_184 = arith.constant 0 : i32
    %dma_wait3A_185 = tpu.memref_slice %arg10[%dma_wait3A_184] : memref<50400xi32, #tpu.memory_space<vmem>> -> memref<25200xi32, #tpu.memory_space<vmem>>
    %dma_wait3A_186 = arith.constant 100800 : i32
    %dma_wait3A_187 = tpu.memref_slice %arg3[%dma_wait3A_186] : memref<126000xi32, #tpu.memory_space<hbm>> -> memref<25200xi32, #tpu.memory_space<hbm>>
    %dma_wait3A_188 = arith.constant 0 : i32
    %dma_wait3A_189 = tpu.memref_slice %arg10[%dma_wait3A_188] : memref<50400xi32, #tpu.memory_space<vmem>> -> memref<25200xi32, #tpu.memory_space<vmem>>
    %dma_wait3A_190 = arith.constant 100800 : i32
    %dma_wait3A_191 = tpu.memref_slice %arg3[%dma_wait3A_190] : memref<126000xi32, #tpu.memory_space<hbm>> -> memref<25200xi32, #tpu.memory_space<hbm>>
    tpu.wait_dma2 semaphore(%arg14 : memref<!tpu.dma_semaphore, #tpu.memory_space<semaphore_mem>>) src(%dma_wait3A_191 : memref<25200xi32, #tpu.memory_space<hbm>>) dst(%dma_wait3A_189 : memref<25200xi32, #tpu.memory_space<vmem>>)
    %scan3A_192 = arith.constant 0 : i32
    %scan3A_193 = arith.constant 525 : i32
    %scan3A_194 = arith.addi %scan3A_192, %scan3A_193 : i32
    %scan3A_195 = arith.constant 1 : i32
    %scan3A_196:4 = scf.for %scan3A_245 = %scan3A_192 to %scan3A_194 step %scan3A_195 iter_args(%scan3A_246 = %scan3A_182#0, %scan3A_247 = %scan3A_182#1, %scan3A_248 = %scan3A_182#2, %scan3A_249 = %scan3A_182#3) -> (vector<16xf32>, vector<16xf32>, vector<16xf32>, vector<16xf32>)  : i32 {
      %mul3A_250 = arith.constant 48 : i32
      %mul3A_251 = arith.muli %scan3A_245, %mul3A_250 : i32
      %add3A_252 = arith.constant 0 : i32
      %add3A_253 = arith.addi %add3A_252, %mul3A_251 : i32
      %add3A_254 = arith.constant 0 : i32
      %add3A_255 = arith.addi %add3A_253, %add3A_254 : i32
      %add3A_256 = vector.broadcast %add3A_255 : i32 to vector<16xi32>
      %add3A_257 = arith.addi %mul3A_95, %add3A_256 : vector<16xi32>
      %gather3A = tpu.vector_load_idx %arg10[%add3A_257] : memref<50400xi32, #tpu.memory_space<vmem>>[vector<16xi32>], vector<16xi32>,
      %and3A = arith.andi %gather3A, %broadcast_in_dim3A_90 : vector<16xi32>
      %and3A_258 = arith.andi %gather3A, %broadcast_in_dim3A_92 : vector<16xi32>
      %add3A_259 = arith.constant 1 : i32
      %add3A_260 = arith.addi %add3A_253, %add3A_259 : i32
      %add3A_261 = vector.broadcast %add3A_260 : i32 to vector<16xi32>
      %add3A_262 = arith.addi %mul3A_95, %add3A_261 : vector<16xi32>
      %gather3A_263 = tpu.vector_load_idx %arg10[%add3A_262] : memref<50400xi32, #tpu.memory_space<vmem>>[vector<16xi32>], vector<16xi32>,
      %and3A_264 = arith.andi %gather3A_263, %broadcast_in_dim3A_90 : vector<16xi32>
      %and3A_265 = arith.andi %gather3A_263, %broadcast_in_dim3A_92 : vector<16xi32>
      %add3A_266 = arith.constant 2 : i32
      %add3A_267 = arith.addi %add3A_253, %add3A_266 : i32
      %add3A_268 = vector.broadcast %add3A_267 : i32 to vector<16xi32>
      %add3A_269 = arith.addi %mul3A_95, %add3A_268 : vector<16xi32>
      %gather3A_270 = tpu.vector_load_idx %arg10[%add3A_269] : memref<50400xi32, #tpu.memory_space<vmem>>[vector<16xi32>], vector<16xi32>,
      %and3A_271 = arith.andi %gather3A_270, %broadcast_in_dim3A_90 : vector<16xi32>
      %and3A_272 = arith.andi %gather3A_270, %broadcast_in_dim3A_92 : vector<16xi32>
      %gather3A_273 = tpu.vector_load_idx %arg6[%and3A] : memref<10000xf32, #tpu.memory_space<vmem>>[vector<16xi32>], vector<16xf32>,
      %bitcast_convert_type3A = tpu.bitcast %gather3A_273 : vector<16xf32> -> vector<16xi32>
      %xor3A = arith.xori %bitcast_convert_type3A, %and3A_258 : vector<16xi32>
      %bitcast_convert_type3A_274 = tpu.bitcast %xor3A : vector<16xi32> -> vector<16xf32>
      %gather3A_275 = tpu.vector_load_idx %arg6[%and3A_264] : memref<10000xf32, #tpu.memory_space<vmem>>[vector<16xi32>], vector<16xf32>,
      %bitcast_convert_type3A_276 = tpu.bitcast %gather3A_275 : vector<16xf32> -> vector<16xi32>
      %xor3A_277 = arith.xori %bitcast_convert_type3A_276, %and3A_265 : vector<16xi32>
      %bitcast_convert_type3A_278 = tpu.bitcast %xor3A_277 : vector<16xi32> -> vector<16xf32>
      %gather3A_279 = tpu.vector_load_idx %arg6[%and3A_271] : memref<10000xf32, #tpu.memory_space<vmem>>[vector<16xi32>], vector<16xf32>,
      %bitcast_convert_type3A_280 = tpu.bitcast %gather3A_279 : vector<16xf32> -> vector<16xi32>
      %xor3A_281 = arith.xori %bitcast_convert_type3A_280, %and3A_272 : vector<16xi32>
      %bitcast_convert_type3A_282 = tpu.bitcast %xor3A_281 : vector<16xi32> -> vector<16xf32>
      %max3A = arith.maximumf %bitcast_convert_type3A_274, %bitcast_convert_type3A_278 : vector<16xf32>
      %max3A_283 = arith.maximumf %max3A, %bitcast_convert_type3A_282 : vector<16xf32>
      %min3A = arith.minimumf %scan3A_246, %max3A_283 : vector<16xf32>
      %gather3A_284 = tpu.vector_load_idx %arg7[%and3A] : memref<10000xf32, #tpu.memory_space<vmem>>[vector<16xi32>], vector<16xf32>,
      %bitcast_convert_type3A_285 = tpu.bitcast %gather3A_284 : vector<16xf32> -> vector<16xi32>
      %xor3A_286 = arith.xori %bitcast_convert_type3A_285, %and3A_258 : vector<16xi32>
      %bitcast_convert_type3A_287 = tpu.bitcast %xor3A_286 : vector<16xi32> -> vector<16xf32>
      %gather3A_288 = tpu.vector_load_idx %arg7[%and3A_264] : memref<10000xf32, #tpu.memory_space<vmem>>[vector<16xi32>], vector<16xf32>,
      %bitcast_convert_type3A_289 = tpu.bitcast %gather3A_288 : vector<16xf32> -> vector<16xi32>
      %xor3A_290 = arith.xori %bitcast_convert_type3A_289, %and3A_265 : vector<16xi32>
      %bitcast_convert_type3A_291 = tpu.bitcast %xor3A_290 : vector<16xi32> -> vector<16xf32>
      %gather3A_292 = tpu.vector_load_idx %arg7[%and3A_271] : memref<10000xf32, #tpu.memory_space<vmem>>[vector<16xi32>], vector<16xf32>,
      %bitcast_convert_type3A_293 = tpu.bitcast %gather3A_292 : vector<16xf32> -> vector<16xi32>
      %xor3A_294 = arith.xori %bitcast_convert_type3A_293, %and3A_272 : vector<16xi32>
      %bitcast_convert_type3A_295 = tpu.bitcast %xor3A_294 : vector<16xi32> -> vector<16xf32>
      %max3A_296 = arith.maximumf %bitcast_convert_type3A_287, %bitcast_convert_type3A_291 : vector<16xf32>
      %max3A_297 = arith.maximumf %max3A_296, %bitcast_convert_type3A_295 : vector<16xf32>
      %min3A_298 = arith.minimumf %scan3A_247, %max3A_297 : vector<16xf32>
      %gather3A_299 = tpu.vector_load_idx %arg8[%and3A] : memref<10000xf32, #tpu.memory_space<vmem>>[vector<16xi32>], vector<16xf32>,
      %bitcast_convert_type3A_300 = tpu.bitcast %gather3A_299 : vector<16xf32> -> vector<16xi32>
      %xor3A_301 = arith.xori %bitcast_convert_type3A_300, %and3A_258 : vector<16xi32>
      %bitcast_convert_type3A_302 = tpu.bitcast %xor3A_301 : vector<16xi32> -> vector<16xf32>
      %gather3A_303 = tpu.vector_load_idx %arg8[%and3A_264] : memref<10000xf32, #tpu.memory_space<vmem>>[vector<16xi32>], vector<16xf32>,
      %bitcast_convert_type3A_304 = tpu.bitcast %gather3A_303 : vector<16xf32> -> vector<16xi32>
      %xor3A_305 = arith.xori %bitcast_convert_type3A_304, %and3A_265 : vector<16xi32>
      %bitcast_convert_type3A_306 = tpu.bitcast %xor3A_305 : vector<16xi32> -> vector<16xf32>
      %gather3A_307 = tpu.vector_load_idx %arg8[%and3A_271] : memref<10000xf32, #tpu.memory_space<vmem>>[vector<16xi32>], vector<16xf32>,
      %bitcast_convert_type3A_308 = tpu.bitcast %gather3A_307 : vector<16xf32> -> vector<16xi32>
      %xor3A_309 = arith.xori %bitcast_convert_type3A_308, %and3A_272 : vector<16xi32>
      %bitcast_convert_type3A_310 = tpu.bitcast %xor3A_309 : vector<16xi32> -> vector<16xf32>
      %max3A_311 = arith.maximumf %bitcast_convert_type3A_302, %bitcast_convert_type3A_306 : vector<16xf32>
      %max3A_312 = arith.maximumf %max3A_311, %bitcast_convert_type3A_310 : vector<16xf32>
      %min3A_313 = arith.minimumf %scan3A_248, %max3A_312 : vector<16xf32>
      %gather3A_314 = tpu.vector_load_idx %arg9[%and3A] : memref<10000xf32, #tpu.memory_space<vmem>>[vector<16xi32>], vector<16xf32>,
      %bitcast_convert_type3A_315 = tpu.bitcast %gather3A_314 : vector<16xf32> -> vector<16xi32>
      %xor3A_316 = arith.xori %bitcast_convert_type3A_315, %and3A_258 : vector<16xi32>
      %bitcast_convert_type3A_317 = tpu.bitcast %xor3A_316 : vector<16xi32> -> vector<16xf32>
      %gather3A_318 = tpu.vector_load_idx %arg9[%and3A_264] : memref<10000xf32, #tpu.memory_space<vmem>>[vector<16xi32>], vector<16xf32>,
      %bitcast_convert_type3A_319 = tpu.bitcast %gather3A_318 : vector<16xf32> -> vector<16xi32>
      %xor3A_320 = arith.xori %bitcast_convert_type3A_319, %and3A_265 : vector<16xi32>
      %bitcast_convert_type3A_321 = tpu.bitcast %xor3A_320 : vector<16xi32> -> vector<16xf32>
      %gather3A_322 = tpu.vector_load_idx %arg9[%and3A_271] : memref<10000xf32, #tpu.memory_space<vmem>>[vector<16xi32>], vector<16xf32>,
      %bitcast_convert_type3A_323 = tpu.bitcast %gather3A_322 : vector<16xf32> -> vector<16xi32>
      %xor3A_324 = arith.xori %bitcast_convert_type3A_323, %and3A_272 : vector<16xi32>
      %bitcast_convert_type3A_325 = tpu.bitcast %xor3A_324 : vector<16xi32> -> vector<16xf32>
      %max3A_326 = arith.maximumf %bitcast_convert_type3A_317, %bitcast_convert_type3A_321 : vector<16xf32>
      %max3A_327 = arith.maximumf %max3A_326, %bitcast_convert_type3A_325 : vector<16xf32>
      %min3A_328 = arith.minimumf %scan3A_249, %max3A_327 : vector<16xf32>
      scf.yield %min3A, %min3A_298, %min3A_313, %min3A_328 : vector<16xf32>, vector<16xf32>, vector<16xf32>, vector<16xf32>
    }
    %scan3A_197 = arith.constant 525 : i32
    %iota3A_198 = tpu.iota {dimensions = array<i32: 0>} : vector<16xi32>
    %broadcast_in_dim3A_199 = arith.constant 0.000000e+00 : f32
    %broadcast_in_dim3A_200 = vector.broadcast %broadcast_in_dim3A_199 : f32 to vector<16xf32>
    %reduce_min3A = arith.constant true
    %reduce_min3A_201 = vector.broadcast %reduce_min3A : i1 to vector<16xi1>
    %reduce_min3A_202 = tpu.scan <min>, %scan3A_196#0 masked %reduce_min3A_201 : vector<16xf32>, vector<16xi1> -> vector<16xf32>
    %reduce_min3A_203 = vector.extract %reduce_min3A_202[15] : f32 from vector<16xf32>
    %eq3A = arith.constant 0 : i32
    %eq3A_204 = vector.broadcast %eq3A : i32 to vector<16xi32>
    %eq3A_205 = arith.cmpi eq, %iota3A_198, %eq3A_204 : vector<16xi32>
    %broadcast_in_dim3A_206 = vector.broadcast %reduce_min3A_203 : f32 to vector<16xf32>
    %select_n3A = arith.select %eq3A_205, %broadcast_in_dim3A_206, %broadcast_in_dim3A_200 : vector<16xi1>, vector<16xf32>
    %reduce_min3A_207 = arith.constant true
    %reduce_min3A_208 = vector.broadcast %reduce_min3A_207 : i1 to vector<16xi1>
    %reduce_min3A_209 = tpu.scan <min>, %scan3A_196#1 masked %reduce_min3A_208 : vector<16xf32>, vector<16xi1> -> vector<16xf32>
    %reduce_min3A_210 = vector.extract %reduce_min3A_209[15] : f32 from vector<16xf32>
    %eq3A_211 = arith.constant 1 : i32
    %eq3A_212 = vector.broadcast %eq3A_211 : i32 to vector<16xi32>
    %eq3A_213 = arith.cmpi eq, %iota3A_198, %eq3A_212 : vector<16xi32>
    %broadcast_in_dim3A_214 = vector.broadcast %reduce_min3A_210 : f32 to vector<16xf32>
    %select_n3A_215 = arith.select %eq3A_213, %broadcast_in_dim3A_214, %select_n3A : vector<16xi1>, vector<16xf32>
    %reduce_min3A_216 = arith.constant true
    %reduce_min3A_217 = vector.broadcast %reduce_min3A_216 : i1 to vector<16xi1>
    %reduce_min3A_218 = tpu.scan <min>, %scan3A_196#2 masked %reduce_min3A_217 : vector<16xf32>, vector<16xi1> -> vector<16xf32>
    %reduce_min3A_219 = vector.extract %reduce_min3A_218[15] : f32 from vector<16xf32>
    %eq3A_220 = arith.constant 2 : i32
    %eq3A_221 = vector.broadcast %eq3A_220 : i32 to vector<16xi32>
    %eq3A_222 = arith.cmpi eq, %iota3A_198, %eq3A_221 : vector<16xi32>
    %broadcast_in_dim3A_223 = vector.broadcast %reduce_min3A_219 : f32 to vector<16xf32>
    %select_n3A_224 = arith.select %eq3A_222, %broadcast_in_dim3A_223, %select_n3A_215 : vector<16xi1>, vector<16xf32>
    %reduce_min3A_225 = arith.constant true
    %reduce_min3A_226 = vector.broadcast %reduce_min3A_225 : i1 to vector<16xi1>
    %reduce_min3A_227 = tpu.scan <min>, %scan3A_196#3 masked %reduce_min3A_226 : vector<16xf32>, vector<16xi1> -> vector<16xf32>
    %reduce_min3A_228 = vector.extract %reduce_min3A_227[15] : f32 from vector<16xf32>
    %eq3A_229 = arith.constant 3 : i32
    %eq3A_230 = vector.broadcast %eq3A_229 : i32 to vector<16xi32>
    %eq3A_231 = arith.cmpi eq, %iota3A_198, %eq3A_230 : vector<16xi32>
    %broadcast_in_dim3A_232 = vector.broadcast %reduce_min3A_228 : f32 to vector<16xf32>
    %select_n3A_233 = arith.select %eq3A_231, %broadcast_in_dim3A_232, %select_n3A_224 : vector<16xi1>, vector<16xf32>
    %neg3A = arith.constant 0.000000e+00 : f32
    %neg3A_234 = vector.broadcast %neg3A : f32 to vector<16xf32>
    %neg3A_235 = arith.subf %neg3A_234, %select_n3A_233 : vector<16xf32>
    %exp3A = math.exp %neg3A_235 : vector<16xf32>
    %add3A_236 = arith.constant 1.000000e+00 : f32
    %add3A_237 = vector.broadcast %add3A_236 : f32 to vector<16xf32>
    %add3A_238 = arith.addf %add3A_237, %exp3A : vector<16xf32>
    %div3A = arith.constant 1.000000e+00 : f32
    %div3A_239 = vector.broadcast %div3A : f32 to vector<16xf32>
    %div3A_240 = arith.divf %div3A_239, %add3A_238 : vector<16xf32>
    %swap3A = arith.constant 0 : index
    %swap3A_241 = tpu.vector_load %arg12[%swap3A] {strides = array<i32>} : memref<16xf32, #tpu.memory_space<vmem>>, vector<16xf32>,
    tpu.vector_store %arg12[%swap3A], %div3A_240 {strides = array<i32>} : memref<16xf32, #tpu.memory_space<vmem>>, vector<16xf32>,
    %mul3A_242 = arith.constant 16 : i32
    %mul3A_243 = arith.muli %add3A, %mul3A_242 : i32
    %multiple_of3A_244 = tpu.assume_multiple %mul3A_243, 8 : i32
    "tpu.region"() ({
      %run_scoped3A = tpu.sem_alloc : memref<!tpu.dma_semaphore, #tpu.memory_space<semaphore_mem>>
      %dma_start3A_245 = tpu.memref_slice %arg5[%multiple_of3A_244] : memref<512xf32, #tpu.memory_space<hbm>> -> memref<16xf32, #tpu.memory_space<hbm>>
      %dma_start3A_246 = tpu.memref_slice %arg5[%multiple_of3A_244] : memref<512xf32, #tpu.memory_space<hbm>> -> memref<16xf32, #tpu.memory_space<hbm>>
      tpu.enqueue_dma source(%arg12 : memref<16xf32, #tpu.memory_space<vmem>>) target(%dma_start3A_246 : memref<16xf32, #tpu.memory_space<hbm>>) target_semaphore(%run_scoped3A : memref<!tpu.dma_semaphore, #tpu.memory_space<semaphore_mem>>)
      %dma_wait3A_247 = tpu.memref_slice %arg5[%multiple_of3A_244] : memref<512xf32, #tpu.memory_space<hbm>> -> memref<16xf32, #tpu.memory_space<hbm>>
      %dma_wait3A_248 = tpu.memref_slice %arg5[%multiple_of3A_244] : memref<512xf32, #tpu.memory_space<hbm>> -> memref<16xf32, #tpu.memory_space<hbm>>
      tpu.wait_dma2 semaphore(%run_scoped3A : memref<!tpu.dma_semaphore, #tpu.memory_space<semaphore_mem>>) src(%arg12 : memref<16xf32, #tpu.memory_space<vmem>>) dst(%dma_wait3A_248 : memref<16xf32, #tpu.memory_space<hbm>>)
      tpu.yield
    }) : () -> ()
    return
  }
}

</mosaic_0001>

<sc_bundles>
// kernel: _run.3.cloned.1.call-start
scs
__scs_entry_jumppad:
0x0: {  	(pc) =	sbr.rel $0x88, $3  }
0x1: {  	(tag) =	ssettag $0x0;
	lr =	simm.s32 $0x1  }
0x2: {  	[smem:$0x3F9D] =	sst lr;
	_ =	strace $0xD0000000  }
0x3: {  	_ = 	snop  }
0x4: {  	_ = 	snop  }
0x5: {  	_ = 	snop  }
0x6: {  	_ = 	snop  }
0x7: {  	_ = 	snop  }
__scs_overlays_trampoline_lowered:
0x8: {  	[smem:$0x3FAC] =	sst s0  }
0x9: {  	[smem:$0x3FAD] =	sst s1  }
0xa: {  	[smem:$0x3FAE] =	sst s2  }
0xb: {  	[smem:$0x3FAF] =	sst s3  }
0xc: {  	[smem:$0x3FB0] =	sst s4  }
0xd: {  	[smem:$0x3FB1] =	sst s5  }
0xe: {  	[smem:$0x3FB2] =	sst s6  }
0xf: {  	[smem:$0x3FB3] =	sst s7  }
0x10: {  	[smem:$0x3FB4] =	sst s8  }
0x11: {  	[smem:$0x3FB5] =	sst s9;
	s0 =	simm.s32 @!p0 $0x0  }
0x12: {  	s1 =	sld [smem:$0x3F9B];
	s0 =	simm.s32 @p0 $0x1  }
0x13: {  	[smem:$0x3FB6] =	sst s0;
	s0 =	simm.s32 @!p1 $0x0  }
0x14: {  	s2 =	sld [smem:$0x3F9A];
	s0 =	simm.s32 @p1 $0x1  }
0x15: {  	[smem:$0x3FB7] =	sst s0;
	s0 =	simm.s32 @!p2 $0x0  }
0x16: {  	s3 =	sld [smem:$0x3FDB];
	s0 =	simm.s32 @p2 $0x1  }
0x17: {  	s4 =	simm.s32 $0x1BF5;
	[smem:$0x3FB9] =	sst s0  }
0x18: {  	s0 =	sld [smem:$0x3F9C];
	_ =	swait.ge [sflag:s4], $0x0  }
0x19: {  	s7 =	sld [smem:$0x3F9D]  }
0x1a: {  	s8 =	sadd.s32 $0xFFFFE003, lr  }
0x1b: {  	s9 =	sadd.s32 $0xFFFFFEF7, lr;
	s5 =	simm.s32 $0xFFFFFFFF;
	p2 =	slt.u32 s8, $0xFFFFF086  }
0x1c: {  	p1 =	slt.u32 s9, $0xF7A;
	s5 =	simm.s32 @!p2 $0x0  }
0x1d: {  	s5 =	simm.s32 @p1 $0x1;
	p0 =	seq.s32 s7, s2  }
0x1e: {  	s7 =	smul.u32 @!p0 $0xF7A, s2;
	p2 =	seq.s32 @!p0 s5, $0x0  }
0x1f: {  	s9 =	smul.u32 $0xF7A, s1;
	s8 =	simm.s32 @!p0 $0x1BF5;
	p2 =	por !p2, p0  }
0x20: {  	[sflag:s8] =	ssyncset.s32 @!p0 $0xFFFFF086;
	s6 =	sadd.s32 @!p0 s3, s7;
	s7 =	simm.s32 @!p0 $0x108  }
0x21: {  	s3 =	sadd.s32 s3, s9;
	s6 =	sadd.s32 @!p0 $0x88, s6;
	s7 =	simm.s32 @p2 $0x1082  }
0x22: {  	[simem:s7], [sflag:s8] =	dma.local @!p0 [hbm:s6], $0xF7A  }
0x23: {  	s9 =	sor.u32 $0xD0000000, s2;
	s6 =	simm.s32 $0x108;
	_ =	swait.ge @!p0 [sflag:s8], $0x0  }
0x24: {  	s3 =	sadd.s32 $0x88, s3;
	s6 =	simm.s32 @!p1 $0x1082;
	[sflag:s4] =	ssyncset.s32 $0xFFFFF086  }
0x25: {  	[simem:s6], [sflag:s4] =	dma.local [hbm:s3], $0xF7A  }
0x26: {  	[smem:$0x3F9D] =	sst s1;
	(tag) =	ssettag s2;
	_ =	strace s9  }
0x27: {  	s1 =	sld [smem:$0x3FAD]  }
0x28: {  	s2 =	sld [smem:$0x3FAE]  }
0x29: {  	s4 =	sld [smem:$0x3FB0]  }
0x2a: {  	p0 =	seq.s32 s5, $0x0;
	s5 =	sld [smem:$0x3FB1]  }
0x2b: {  	s6 =	sld [smem:$0x3FB2]  }
0x2c: {  	s7 =	sld [smem:$0x3FB3]  }
0x2d: {  	s3 =	simm.s32 $0x108;
	s8 =	sld [smem:$0x3FB4]  }
0x2e: {  	s3 =	simm.s32 @!p0 $0x1082;
	s9 =	sld [smem:$0x3FB5]  }
0x2f: {  	lr =	sadd.s32 s0, s3;
	s0 =	sld [smem:$0x3FAC]  }
0x30: {  	s3 =	sld [smem:$0x3FAF]  }
0x31: {  	[smem:$0x3FB8] =	sst s10  }
0x32: {  	s10 =	sld [smem:$0x3FB6];
	_ =	sdelay $0x3  }
0x33: {  	p0 =	seq.s32 s10, $0x1;
	s10 =	sld [smem:$0x3FB8];
	_ =	sdelay $0x3  }
0x34: {  	[smem:$0x3FB8] =	sst s10  }
0x35: {  	s10 =	sld [smem:$0x3FB7];
	_ =	sdelay $0x3  }
0x36: {  	p1 =	seq.s32 s10, $0x1;
	s10 =	sld [smem:$0x3FB8];
	_ =	sdelay $0x3  }
0x37: {  	[smem:$0x3FB8] =	sst s10  }
0x38: {  	s10 =	sld [smem:$0x3FB9]  }
0x39: {  	_ = 	snop;
	(pc) =	sbr.ind lr, $3  }
0x3a: {  	_ = 	snop  }
0x3b: {  	_ = 	snop  }
0x3c: {  	p2 =	seq.s32 s10, $0x1;
	s10 =	sld [smem:$0x3FB8]  }
0x3d: {  	_ =	shalt  }
0x3e: {  	_ =	shalt  }
0x3f: {  	_ =	shalt  }
0x40: {  	_ =	shalt  }
0x41: {  	_ =	shalt  }
0x42: {  	_ =	shalt  }
0x43: {  	_ =	shalt  }
0x44: {  	_ =	shalt  }
0x45: {  	_ =	shalt  }
0x46: {  	_ =	shalt  }
0x47: {  	_ =	shalt  }
0x48: {  	_ =	shalt  }
0x49: {  	_ =	shalt  }
0x4a: {  	_ =	shalt  }
0x4b: {  	_ =	shalt  }
0x4c: {  	_ =	shalt  }
0x4d: {  	_ =	shalt  }
0x4e: {  	_ =	shalt  }
0x4f: {  	_ =	shalt  }
0x50: {  	_ =	shalt  }
0x51: {  	_ =	shalt  }
0x52: {  	_ =	shalt  }
0x53: {  	_ =	shalt  }
0x54: {  	_ =	shalt  }
0x55: {  	_ =	shalt  }
0x56: {  	_ =	shalt  }
0x57: {  	_ =	shalt  }
0x58: {  	_ =	shalt  }
0x59: {  	_ =	shalt  }
0x5a: {  	_ =	shalt  }
0x5b: {  	_ =	shalt  }
0x5c: {  	_ =	shalt  }
0x5d: {  	_ =	shalt  }
0x5e: {  	_ =	shalt  }
0x5f: {  	_ =	shalt  }
0x60: {  	_ =	shalt  }
0x61: {  	_ =	shalt  }
0x62: {  	_ =	shalt  }
0x63: {  	_ =	shalt  }
0x64: {  	_ =	shalt  }
0x65: {  	_ =	shalt  }
0x66: {  	_ =	shalt  }
0x67: {  	_ =	shalt  }
0x68: {  	_ =	shalt  }
0x69: {  	_ =	shalt  }
0x6a: {  	_ =	shalt  }
0x6b: {  	_ =	shalt  }
0x6c: {  	_ =	shalt  }
0x6d: {  	_ =	shalt  }
0x6e: {  	_ =	shalt  }
0x6f: {  	_ =	shalt  }
0x70: {  	_ =	shalt  }
0x71: {  	_ =	shalt  }
0x72: {  	_ =	shalt  }
0x73: {  	_ =	shalt  }
0x74: {  	_ =	shalt  }
0x75: {  	_ =	shalt  }
0x76: {  	_ =	shalt  }
0x77: {  	_ =	shalt  }
0x78: {  	_ =	shalt  }
0x79: {  	_ =	shalt  }
0x7a: {  	_ =	shalt  }
0x7b: {  	_ =	shalt  }
0x7c: {  	_ =	shalt  }
0x7d: {  	_ =	shalt  }
0x7e: {  	_ =	shalt  }
0x7f: {  	_ =	shalt  }
0x80: {  	_ =	shalt  }
0x81: {  	_ =	shalt  }
0x82: {  	_ =	shalt  }
0x83: {  	_ =	shalt  }
0x84: {  	_ =	shalt  }
0x85: {  	_ =	shalt  }
0x86: {  	_ =	shalt  }
0x87: {  	_ =	shalt  }
.Lfunc_end0:
.L_simem_size_0:
called_computation_lowered:
.L_overlay_start_0:
0x88: {  	s2 =	sld [smem:$0x3FD9]  }
0x89: {  	s3 =	sld [smem:$0x3FFE];
	_ =	sdelay $0x1  }
0x8a: {  	s1 =	srdreg.scid  }
0x8b: {  	s0 =	sand.u32 $0x1, s1  }
0x8c: {  	s17 =	sshll.u32 s0, $0xA;
	s2 =	sadd.s32 s3, s2  }
0x8d: {  	s2 =	sadd.s32 s2, s17  }
0x8e: {  	[smem:$0x3FC4] =	sst s2  }
0x8f: {  	_ = 	snop  }
0x90: {  	s2 =	sld [smem:$0x3FD0];
	(tm) =	ssettm $0x1  }
0x91: {  	s18 =	sld [smem:$0x3FFB];
	_ =	sdelay $0x3  }
0x92: {  	_ =	strace s18  }
0x93: {  	s3 =	sld [smem:$0x3FFC];
	_ =	sdelay $0x3  }
0x94: {  	_ =	strace s3  }
0x95: {  	s3 =	sld [smem:$0x3FFD];
	_ =	sdelay $0x3  }
0x96: {  	_ =	strace s3  }
0x97: {  	_ =	strace $0x8FFFFFFF  }
0x98: {  	s19 =	sld [smem:$0x3FDB];
	_ =	sdelay $0x1  }
0x99: {  	s4 =	simm.s32 $_scs_section_size  }
0x9a: {  	s5 =	simm.s32 $_size__tile_overlayer_lowered;
	s6 =	simm.s32 $_tile_overlayer_lowered  }
0x9b: {  	s22 =	simm.s32 $0x1BFF;
	s21 =	sshll.u32 s6, $0x1;
	s3 =	sadd.s32 s4, s19  }
0x9c: {  	s7 =	simm.s32 $0x0;
	s20 =	sshll.u32 s5, $0x1;
	s5 =	sadd.s32 s21, s3  }
0x9d: {  	[timem:s7], [sflag:s22] =	dma.local [hbm:s5], s20  }
0x9e: {  	_ =	swait.ge [sflag:s22], s20  }
0x9f: {  	s4 =	ssub.s32 $0x0, s20;
	[sflag:s22] =	ssyncset.done $0x0  }
0xa0: {  	[sflag:s22] =	ssyncadd.s32 s4;
	_ =	sdelay $0x1  }
0xa1: {  	s23 =	simm.s32 $0x1B8B  }
0xa2: {  	_ =	swait.ge [sflag:s23], $0x1  }
0xa3: {  	[sflag:s23] =	ssyncset.done $0x0  }
0xa4: {  	s25 =	simm.s32 $0x1B8E;
	s24 =	sld [smem:$0x3FFE];
	[sflag:s23] =	ssyncadd.s32 $0xFFFFFFFF  }
0xa5: {  	s26 =	simm.s32 $execute0_lowered;
	[smem:$0x3FD2] =	sst s25  }
0xa6: {  	s5 =	sshll.u32 s26, $0x1;
	_ =	strace $0x80000046;
	[dreg:$0x1] =	wrdreg $0xFFFFFFFF  }
0xa7: {  	s28 =	simm.s32 $_size_execute0_lowered;
	s3 =	sadd.s32 s3, s5;
	[dreg:$0x0] =	wrdreg $0x0  }
0xa8: {  	s5 =	sshll.u32 s28, $0x1;
	[dreg:$0x2] =	wrdreg s3  }
0xa9: {  	[dreg:$0x3] =	wrdreg s5  }
0xaa: {  	[dreg:$0x4] =	wrdreg $0xC0  }
0xab: {  	_ =	task [dreg:s7], $0x5FFFF  }
0xac: {  	[dreg:$0x1] =	wrdreg $0xFFFFFFFF  }
0xad: {  	[dreg:$0x0] =	wrdreg $0x60  }
0xae: {  	[dreg:$0x2] =	wrdreg s24  }
0xaf: {  	[dreg:$0x3] =	wrdreg s2  }
0xb0: {  	[dreg:$0x4] =	wrdreg $0x9  }
0xb1: {  	_ =	task.clear_ibuf [dreg:s7], $0x5FFFF;
	_ =	strace $0x90000046  }
0xb2: {  	s29 =	simm.s32 $0x9;
	_ =	strace $0x80000048  }
0xb3: {  	_ =	swait.ge [sflag:s29], $0x1  }
0xb4: {  	[sflag:s29] =	ssyncadd.s32 $0xFFFFFFFF  }
0xb5: {  	_ =	strace $0x90000048  }
0xb6: {  	_ =	sfence  }
0xb7: {  	s30 =	sld [smem:$0x0];
	_ =	sdelay $0x2  }
0xb8: {  	s31 =	sshll.u32 s1, $0xD;
	s1 =	sshrl.u32 s1, $0x2  }
0xb9: {  	s3 =	sand.u32 $0x4000, s31;
	s1 =	sadd.s32 s1, s30  }
0xba: {  	s0 =	sor.u32 s3, s0;
	s1 =	sshll.u32 s1, $0x11  }
0xbb: {  	s0 =	sor.u32 s1, s0  }
0xbc: {  	s0 =	sadd.s32 $0x8F2B, s0  }
0xbd: {  	[sflag:s0] =	ssyncadd.remote.s32 $0x1  }
0xbe: {  	_ =	sfence.sel $0xFFFF  }
0xbf: {  	[dreg:$0x0] =	wrdreg $0xFFFFFFFF;
	(pc) =	sbr.abs _section_cstart, $3  }
0xc0: {  	[dreg:$0x1] =	wrdreg $0xFFFFFFFF  }
0xc1: {  	_ =	task.clear_ibuf [dreg:s7], $0x2FFFF;
	_ =	strace $0x9FFFFFFF  }
0xc2: {  	(tm) =	ssettm $0x7FFFFFFF  }
0xc3: {  	_ =	shalt  }
tec
execute0_lowered:
.L_overlay_start_1:
0x0: {  	(tag) =	ssettag $0x1  }
0x1: {  	s12 =	rddreg [dreg:$0x0]  }
0x2: {  	s13 =	rddreg [dreg:$0x1]  }
0x3: {  	s0 =	rddreg [dreg:$0x2];
	s3 =	srdreg.scid  }
0x4: {  	s1 =	stileid.u32;
	s2 =	simm.s32 $0x0;
	s16 =	simm.s32 $0x4F00  }
0x5: {  	s17 =	simm.s32 $0x7680;
	s18 =	simm.s32 $0x9E00;
	s19 =	simm.s32 $0x16300  }
0x6: {  	s20 =	simm.s32 $0x3;
	s21 =	simm.s32 $0x1;
	s22 =	simm.s32 $0x10070  }
0x7: {  	s23 =	simm.s32 $0x2;
	s24 =	simm.s32 $0x16380;
	s25 =	simm.s32 $0x0  }
0x8: {  	s4 =	sand.u32 $0x1, s3;
	s30 =	sshll.u32 s1, $0x1;
	[smem:$0x7FF] =	sst s2  }
0x9: {  	s6 =	sadd.s32 $0x800, s12;
	s3 =	sadd.s32 $0x27A00, s12;
	s11 =	sor.u32 s4, s30  }
0xa: {  	_ =	strace $0x80000047;
	s7 =	ssub.s32 $0x2, s4;
	s5 =	smul.u32 $0x9C40, s11  }
0xb: {  	s4 =	sadd.s32 $0x2B800, s12;
	s8 =	smul.u32 $0x1388, s11;
	s9 =	sshrl.u32 s7, $0x1  }
0xc: {  	s15 =	sshll.u32 s11, $0x1;
	s11 =	sadd.s32 $0x29EEA, s12;
	s14 =	ssub.s32 s7, s9  }
0xd: {  	s9 =	sadd.s32 $0x2864E, s12;
	s13 =	sadd.s32 s13, s15;
	s15 =	simm.s32 $0x2780  }
0xe: {  	v0 =	vlaneseq.u32;
	s10 =	sshrl.u32 s5, $0x3;
	s5 =	sadd.s32 s6, s8;
	s14 =	smax.u32 s14, $0x1  }
0xf: {  	vm0 =	vmmov $0x1;
	v0 =	vmul.u32 $0x3, v0;
	s31 =	sadd.s32 s6, s10;
	s10 =	sadd.s32 $0x2929C, s12;
	s12 =	sadd.s32 $0x2AB38, s12  }
0x10: {  	vm1 =	vcmask $0x310;
	vm2 =	vcmask $0x710;
	vm3 =	vcmask $0xB10;
	s6 =	sadd.s32 $0x4E2, s31;
	s7 =	sadd.s32 $0x9C4, s31;
	s8 =	sadd.s32 $0xEA6, s31  }
.LBB2_1:
0x11: {  	[tilespmem:s2], [sflag:$0x1] =	stream.linear.gather [hbm4b:s5+s2], $0x2710, $0x38;
	[tilespmem:$0x16400] =	vst v63  }
0x12: {  	_ = 	snop  }
0x13: {  	[tilespmem:s15], [sflag:$0x1] =	stream.linear.gather [hbm4b:s6+s2], $0x2710, $0x38;
	[tilespmem:$0x16400] =	vst v63  }
0x14: {  	_ = 	snop  }
0x15: {  	[tilespmem:s16], [sflag:$0x1] =	stream.linear.gather [hbm4b:s7+s2], $0x2710, $0x38;
	[tilespmem:$0x16400] =	vst v63  }
0x16: {  	_ = 	snop  }
0x17: {  	[tilespmem:s17], [sflag:$0x1] =	stream.linear.gather [hbm4b:s8+s2], $0x2710, $0x38;
	[tilespmem:$0x16400] =	vst v63  }
0x18: {  	_ = 	snop  }
0x19: {  	[tilespmem:s18], [sflag:$0x2] =	stream.linear.gather [hbm4b:s3+s2], $0x6270, $0x38;
	[tilespmem:$0x16400] =	vst v63  }
0x1a: {  	_ = 	snop  }
0x1b: {  	[tilespmem:s19], [sflag:$0x3] =	stream.linear.gather [hbm4b:s4+s2], $0x80, $0x38;
	[tilespmem:$0x16400] =	vst v63  }
0x1c: {  	_ =	swait.ge [sflag:s20], $0x80  }
0x1d: {  	[sflag:s20] =	ssyncset.done $0x0  }
0x1e: {  	[sflag:s20] =	ssyncadd.s32 $0xFFFFFF80  }
0x1f: {  	v1 =	vld [tilespmem:$0x16300];
	_ =	swait.ge [sflag:s21], $0x2710  }
0x20: {  	[sflag:s21] =	ssyncset.done $0x0  }
0x21: {  	[sflag:s21] =	ssyncadd.s32 $0xFFFFD8F0  }
0x22: {  	_ =	swait.ge [sflag:s21], $0x2710  }
0x23: {  	[sflag:s21] =	ssyncset.done $0x0  }
0x24: {  	[sflag:s21] =	ssyncadd.s32 $0xFFFFD8F0  }
0x25: {  	_ =	swait.ge [sflag:s21], $0x2710  }
0x26: {  	[sflag:s21] =	ssyncset.done $0x0  }
0x27: {  	[sflag:s21] =	ssyncadd.s32 $0xFFFFD8F0  }
0x28: {  	_ =	swait.ge [sflag:s21], $0x2710  }
0x29: {  	[sflag:s21] =	ssyncset.done $0x0  }
0x2a: {  	s26 =	simm.s32 $0x0;
	[sflag:s21] =	ssyncadd.s32 $0xFFFFD8F0  }
0x2b: {  	v2 =	vld [tilespmem:s26+$0x0]  }
0x2c: {  	v4 =	vld [tilespmem:s26+$0x2780]  }
0x2d: {  	s28 =	simm.s32 $0x40;
	v3 =	vld [tilespmem:s26+$0x4F00]  }
.LBB2_2:
0x2e: {  	p0 =	sne.s32 s28, $0x9C00;
	v5 =	vld [tilespmem:s26+$0x7680];
	_ =	sdelay $0x1  }
0x2f: {  	v2 =	vadd.f32 v2, v1  }
.Ltmp0:
0x30: {  	v4 =	vadd.f32 v4, v1;
	(pc) =	sbr.rel @p0 .LBB2_2-.Ltmp0, $4  }
0x31: {  	s29 =	sshra.s32 s28, $0x2;
	[tilespmem:s26+$0x0] =	vst v2;
	v3 =	vadd.f32 v3, v1  }
0x32: {  	v2 =	vld [tilespmem:s29+$0x0];
	[tilespmem:s26+$0x2780] =	vst v4;
	v5 =	vadd.f32 v5, v1  }
0x33: {  	v4 =	vld [tilespmem:s29+$0x2780];
	[tilespmem:s26+$0x4F00] =	vst v3  }
0x34: {  	s28 =	sadd.s32 $0x40, s28;
	v3 =	vld [tilespmem:s29+$0x4F00];
	[tilespmem:s26+$0x7680] =	vst v5;
	s26 =	smov.u32 s29  }
0x35: {  	v5 =	vld [tilespmem:s26+$0x7680];
	_ =	sdelay $0x1  }
0x36: {  	v2 =	vadd.f32 v2, v1  }
0x37: {  	v4 =	vadd.f32 v4, v1  }
0x38: {  	[tilespmem:s26+$0x0] =	vst v2;
	v2 =	vadd.f32 v3, v1  }
0x39: {  	[tilespmem:s26+$0x2780] =	vst v4;
	v1 =	vadd.f32 v5, v1  }
0x3a: {  	s28 =	simm.s32 $0x0;
	[tilespmem:s26+$0x4F00] =	vst v2  }
0x3b: {  	s30 =	simm.s32 $0x2;
	[tilespmem:s26+$0x7680] =	vst v1;
	v1 =	vadd.s32 s28, v0;
	s28 =	simm.s32 $0x1  }
0x3c: {  	_ =	swait.ge [sflag:s30], $0x6270;
	v2 =	vadd.s32 s28, v0  }
0x3d: {  	v3 =	vadd.s32 s30, v0;
	[sflag:s30] =	ssyncset.done $0x0  }
0x3e: {  	[sflag:s30] =	ssyncadd.s32 $0xFFFF9D90  }
0x3f: {  	[tilespmem:s22], [sflag:$0x2] =	stream.linear.gather [hbm4b:s9+s2], $0x6270, $0x38;
	[tilespmem:$0x16400] =	vst v63  }
0x40: {  	v1 =	vld.idx.msk [tilespmem:v1+s18+$0x0], $0xffff  }
0x41: {  	s31 =	simm.s32 $0x30;
	v2 =	vld.idx.msk [tilespmem:v2+s18+$0x0], $0xffff  }
0x42: {  	v6 =	vadd.s32 s31, v0;
	s28 =	simm.s32 $0x32;
	v3 =	vld.idx.msk [tilespmem:v3+s18+$0x0], $0xffff  }
0x43: {  	v8 =	vadd.s32 s28, v0;
	s30 =	simm.s32 $0x31  }
0x44: {  	v7 =	vadd.s32 s30, v0  }
0x45: {  	v4 =	vand.u32 $0x7FFFFFFF, v1  }
0x46: {  	v5 =	vand.u32 $0x7FFFFFFF, v2  }
0x47: {  	v6 =	vld.idx.msk [tilespmem:v6+s18+$0x0], $0xffff;
	v13 =	vand.u32 $0x7FFFFFFF, v3  }
0x48: {  	v8 =	vld.idx.msk [tilespmem:v8+s18+$0x0], $0xffff  }
0x49: {  	v7 =	vld.idx.msk [tilespmem:v7+s18+$0x0], $0xffff  }
0x4a: {  	v11 =	vld.idx.msk [tilespmem:v4+s17+$0x0], $0xffff  }
0x4b: {  	v12 =	vld.idx.msk [tilespmem:v5+s17+$0x0], $0xffff  }
0x4c: {  	v14 =	vld.idx.msk [tilespmem:v13+s17+$0x0], $0xffff  }
0x4d: {  	v17 =	vld.idx.msk [tilespmem:v4+s2+$0x0], $0xffff  }
0x4e: {  	v20 =	vld.idx.msk [tilespmem:v5+s2+$0x0], $0xffff  }
0x4f: {  	v10 =	vand.u32 $0x80000000, v1;
	v9 =	vand.u32 $0x80000000, v2;
	v21 =	vld.idx.msk [tilespmem:v4+s15+$0x0], $0xffff  }
0x50: {  	v2 =	vand.u32 $0x80000000, v3;
	v16 =	vld.idx.msk [tilespmem:v4+s16+$0x0], $0xffff;
	v1 =	vxor.u32 v11, v10;
	v11 =	vxor.u32 v12, v9  }
0x51: {  	s31 =	simm.s32 $0x60;
	v15 =	vld.idx.msk [tilespmem:v5+s15+$0x0], $0xffff;
	v12 =	vxor.u32 v14, v2;
	v1 =	vmax.f32 v1, v11;
	v11 =	vand.u32 $0x7FFFFFFF, v6  }
0x52: {  	v23 =	vadd.s32 s31, v0;
	v19 =	vld.idx.msk [tilespmem:v13+s2+$0x0], $0xffff;
	v1 =	vmax.f32 v1, v12;
	v12 =	vand.u32 $0x7FFFFFFF, v7  }
0x53: {  	v22 =	vand.u32 $0x7FFFFFFF, v8;
	v18 =	vld.idx.msk [tilespmem:v5+s16+$0x0], $0xffff;
	v4 =	vxor.u32 v17, v10;
	v5 =	vxor.u32 v20, v9  }
0x54: {  	v3 =	vimm.f32 $+Inf;
	v17 =	vld.idx.msk [tilespmem:v13+s15+$0x0], $0xffff;
	v21 =	vxor.u32 v21, v10;
	v20 =	vmax.f32 v4, v5  }
0x55: {  	s29 =	simm.s32 $0x61;
	s26 =	simm.s32 $0x62;
	s28 =	simm.s32 $0x92;
	v14 =	vld.idx.msk [tilespmem:v13+s16+$0x0], $0xffff;
	v13 =	vmovc v22;
	v5 =	vimm.f32 $+Inf;
	v4 =	vimm.f32 $+Inf;
	v1 =	vmin.f32 v3, v1  }
.LBB2_4:
0x56: {  	p0 =	sne.s32 s28, $0x6242;
	v24 =	vadd.s32 s29, v0;
	v25 =	vld.idx.msk [tilespmem:v11+s17+$0x0], $0xffff;
	v15 =	vxor.u32 v15, v9  }
0x57: {  	v26 =	vadd.s32 s26, v0;
	v10 =	vxor.u32 v16, v10;
	s26 =	smov.u32 s28;
	v27 =	vld.idx.msk [tilespmem:v12+s17+$0x0], $0xffff;
	v15 =	vmax.f32 v21, v15  }
0x58: {  	v9 =	vxor.u32 v18, v9;
	v16 =	vld.idx.msk [tilespmem:v22+s17+$0x0], $0xffff  }
0x59: {  	v19 =	vxor.u32 v19, v2;
	v21 =	vmax.f32 v10, v9;
	v18 =	vld.idx.msk [tilespmem:v11+s2+$0x0], $0xffff  }
0x5a: {  	v9 =	vmax.f32 v20, v19;
	v10 =	vxor.u32 v17, v2;
	v22 =	vld.idx.msk [tilespmem:v23+s18+$0x0], $0xffff  }
0x5b: {  	v3 =	vmin.f32 v3, v9;
	v15 =	vmax.f32 v15, v10;
	v2 =	vxor.u32 v14, v2;
	v17 =	vld.idx.msk [tilespmem:v24+s18+$0x0], $0xffff  }
0x5c: {  	v10 =	vand.u32 $0x80000000, v6;
	v9 =	vand.u32 $0x80000000, v7;
	v6 =	vmax.f32 v21, v2;
	v14 =	vld.idx.msk [tilespmem:v26+s18+$0x0], $0xffff  }
0x5d: {  	v2 =	vand.u32 $0x80000000, v8;
	v7 =	vxor.u32 v25, v10;
	v8 =	vxor.u32 v27, v9;
	v20 =	vld.idx.msk [tilespmem:v12+s2+$0x0], $0xffff  }
0x5e: {  	v5 =	vmin.f32 v5, v15;
	v16 =	vxor.u32 v16, v2;
	v7 =	vmax.f32 v7, v8;
	v21 =	vld.idx.msk [tilespmem:v11+s15+$0x0], $0xffff  }
0x5f: {  	v4 =	vmin.f32 v4, v6;
	v24 =	vxor.u32 v18, v10;
	v8 =	vmax.f32 v7, v16;
	v15 =	vld.idx.msk [tilespmem:v12+s15+$0x0], $0xffff  }
.Ltmp1:
0x60: {  	v1 =	vmin.f32 v1, v8;
	v6 =	vmov v22;
	v16 =	vld.idx.msk [tilespmem:v11+s16+$0x0], $0xffff;
	v11 =	vand.u32 $0x7FFFFFFF, v22;
	(pc) =	sbr.rel @p0 .LBB2_4-.Ltmp1, $4  }
0x61: {  	v7 =	vmov v17;
	v18 =	vld.idx.msk [tilespmem:v12+s16+$0x0], $0xffff;
	v12 =	vand.u32 $0x7FFFFFFF, v17  }
0x62: {  	v22 =	vand.u32 $0x7FFFFFFF, v14;
	v8 =	vmov v14;
	v19 =	vld.idx.msk [tilespmem:v13+s2+$0x0], $0xffff  }
0x63: {  	s29 =	sadd.s32 $0xFFFFFFFE, s28;
	v14 =	vxor.u32 v20, v9;
	v17 =	vld.idx.msk [tilespmem:v13+s15+$0x0], $0xffff  }
0x64: {  	s28 =	sadd.s32 $0x30, s28;
	v23 =	vadd.s32 s29, v0;
	s29 =	sadd.s32 $0xFFFFFFFF, s26;
	v20 =	vmax.f32 v24, v14;
	v21 =	vxor.u32 v21, v10;
	v14 =	vld.idx.msk [tilespmem:v13+s16+$0x0], $0xffff;
	v13 =	vmovc v22  }
0x65: {  	_ =	sdelay $0x3  }
0x66: {  	v25 =	vld.idx.msk [tilespmem:v11+s17+$0x0], $0xffff  }
0x67: {  	v27 =	vld.idx.msk [tilespmem:v12+s17+$0x0], $0xffff  }
0x68: {  	v22 =	vld.idx.msk [tilespmem:v22+s17+$0x0], $0xffff  }
0x69: {  	v28 =	vld.idx.msk [tilespmem:v11+s2+$0x0], $0xffff  }
0x6a: {  	v24 =	vadd.s32 s29, v0;
	v23 =	vld.idx.msk [tilespmem:v23+s18+$0x0], $0xffff  }
0x6b: {  	v26 =	vadd.s32 s26, v0;
	v29 =	vld.idx.msk [tilespmem:v12+s2+$0x0], $0xffff  }
0x6c: {  	v30 =	vld.idx.msk [tilespmem:v11+s15+$0x0], $0xffff  }
0x6d: {  	v31 =	vld.idx.msk [tilespmem:v12+s15+$0x0], $0xffff  }
0x6e: {  	v11 =	vld.idx.msk [tilespmem:v11+s16+$0x0], $0xffff  }
0x6f: {  	v24 =	vld.idx.msk [tilespmem:v24+s18+$0x0], $0xffff  }
0x70: {  	v26 =	vld.idx.msk [tilespmem:v26+s18+$0x0], $0xffff;
	v32 =	vand.u32 $0x7FFFFFFF, v23  }
0x71: {  	v12 =	vld.idx.msk [tilespmem:v12+s16+$0x0], $0xffff  }
0x72: {  	v35 =	vld.idx.msk [tilespmem:v13+s2+$0x0], $0xffff  }
0x73: {  	v36 =	vld.idx.msk [tilespmem:v13+s15+$0x0], $0xffff  }
0x74: {  	v13 =	vld.idx.msk [tilespmem:v13+s16+$0x0], $0xffff;
	v33 =	vand.u32 $0x7FFFFFFF, v24  }
0x75: {  	v34 =	vand.u32 $0x7FFFFFFF, v26;
	v37 =	vld.idx.msk [tilespmem:v32+s17+$0x0], $0xffff  }
0x76: {  	v40 =	vld.idx.msk [tilespmem:v32+s2+$0x0], $0xffff  }
0x77: {  	v15 =	vxor.u32 v15, v9;
	v42 =	vld.idx.msk [tilespmem:v32+s15+$0x0], $0xffff  }
0x78: {  	v10 =	vxor.u32 v16, v10;
	v6 =	vand.u32 $0x80000000, v6;
	v7 =	vand.u32 $0x80000000, v7;
	v32 =	vld.idx.msk [tilespmem:v32+s16+$0x0], $0xffff  }
0x79: {  	s30 =	simm.s32 $0x6270;
	v8 =	vand.u32 $0x80000000, v8;
	v15 =	vmax.f32 v21, v15;
	v9 =	vxor.u32 v18, v9;
	v38 =	vld.idx.msk [tilespmem:v33+s17+$0x0], $0xffff  }
0x7a: {  	s31 =	simm.s32 $0x6271;
	v21 =	vadd.s32 s30, v0;
	v18 =	vxor.u32 v19, v2;
	v9 =	vmax.f32 v10, v9;
	v39 =	vld.idx.msk [tilespmem:v34+s17+$0x0], $0xffff  }
0x7b: {  	s30 =	simm.s32 $0x6272;
	v10 =	vmax.f32 v20, v18;
	v18 =	vadd.s32 s31, v0;
	v17 =	vxor.u32 v17, v2;
	v41 =	vld.idx.msk [tilespmem:v33+s2+$0x0], $0xffff  }
0x7c: {  	v3 =	vmin.f32 v3, v10;
	v10 =	vadd.s32 s30, v0;
	v15 =	vmax.f32 v15, v17;
	v43 =	vld.idx.msk [tilespmem:v33+s15+$0x0], $0xffff  }
0x7d: {  	v2 =	vxor.u32 v14, v2;
	v17 =	vxor.u32 v25, v6;
	v20 =	vxor.u32 v27, v7;
	v33 =	vld.idx.msk [tilespmem:v33+s16+$0x0], $0xffff  }
0x7e: {  	v2 =	vmax.f32 v9, v2;
	v5 =	vmin.f32 v5, v15;
	v15 =	vxor.u32 v30, v6;
	v44 =	vld.idx.msk [tilespmem:v34+s2+$0x0], $0xffff  }
0x7f: {  	v14 =	vmax.f32 v17, v20;
	v17 =	vxor.u32 v22, v8;
	v2 =	vmin.f32 v4, v2;
	v16 =	vld.idx.msk [tilespmem:v34+s15+$0x0], $0xffff  }
0x80: {  	s30 =	simm.s32 $0x62A1;
	v4 =	vxor.u32 v28, v6;
	v6 =	vxor.u32 v11, v6;
	v11 =	vxor.u32 v35, v8;
	v19 =	vld.idx.msk [tilespmem:v34+s16+$0x0], $0xffff;
	_ =	swait.ge [sflag:s23], $0x6270  }
0x81: {  	v22 =	vadd.s32 s30, v0;
	v9 =	vmax.f32 v14, v17;
	v17 =	vxor.u32 v31, v7;
	[sflag:s23] =	ssyncset.done $0x0  }
0x82: {  	v1 =	vmin.f32 v1, v9;
	v9 =	vxor.u32 v29, v7;
	v7 =	vxor.u32 v12, v7;
	[sflag:s23] =	ssyncadd.s32 $0xFFFF9D90  }
0x83: {  	v4 =	vmax.f32 v4, v9;
	v9 =	vmax.f32 v15, v17;
	v6 =	vmax.f32 v6, v7;
	[tilespmem:s18], [sflag:$0x2] =	stream.linear.gather [hbm4b:s10+s2], $0x6270, $0x38;
	[tilespmem:$0x16400] =	vst v63  }
0x84: {  	s31 =	simm.s32 $0x62A0;
	v4 =	vmax.f32 v4, v11;
	v11 =	vxor.u32 v36, v8;
	v8 =	vxor.u32 v13, v8;
	v20 =	vld.idx.msk [tilespmem:v21+s18+$0x0], $0xffff  }
0x85: {  	v12 =	vand.u32 $0x80000000, v26;
	v13 =	vadd.s32 s31, v0;
	v3 =	vmin.f32 v3, v4;
	v14 =	vld.idx.msk [tilespmem:v18+s18+$0x0], $0xffff  }
0x86: {  	v4 =	vmax.f32 v9, v11;
	v9 =	vand.u32 $0x80000000, v23;
	v11 =	vand.u32 $0x80000000, v24;
	v10 =	vld.idx.msk [tilespmem:v10+s18+$0x0], $0xffff  }
0x87: {  	s31 =	simm.s32 $0x62A2;
	v6 =	vmax.f32 v6, v8;
	v18 =	vxor.u32 v37, v9;
	v21 =	vxor.u32 v38, v11  }
0x88: {  	v4 =	vmin.f32 v5, v4;
	v18 =	vmax.f32 v18, v21;
	v21 =	vadd.s32 s31, v0  }
0x89: {  	v2 =	vmin.f32 v2, v6;
	v24 =	vxor.u32 v39, v12;
	v15 =	vand.u32 $0x7FFFFFFF, v20  }
0x8a: {  	v8 =	vxor.u32 v40, v9;
	v5 =	vmax.f32 v18, v24;
	v7 =	vand.u32 $0x7FFFFFFF, v14  }
0x8b: {  	v6 =	vxor.u32 v41, v11;
	v26 =	vmin.f32 v1, v5;
	v5 =	vld.idx.msk [tilespmem:v13+s18+$0x0], $0xffff;
	v17 =	vand.u32 $0x7FFFFFFF, v10  }
0x8c: {  	v1 =	vmax.f32 v8, v6;
	v8 =	vxor.u32 v42, v9;
	v13 =	vxor.u32 v43, v11;
	v6 =	vld.idx.msk [tilespmem:v22+s18+$0x0], $0xffff  }
0x8d: {  	v13 =	vmax.f32 v8, v13;
	v8 =	vld.idx.msk [tilespmem:v21+s18+$0x0], $0xffff  }
0x8e: {  	v23 =	vld.idx.msk [tilespmem:v15+s17+$0x0], $0xffff  }
0x8f: {  	v25 =	vld.idx.msk [tilespmem:v7+s17+$0x0], $0xffff  }
0x90: {  	v9 =	vxor.u32 v32, v9;
	v11 =	vxor.u32 v33, v11;
	v22 =	vxor.u32 v44, v12;
	v18 =	vld.idx.msk [tilespmem:v17+s17+$0x0], $0xffff  }
0x91: {  	v9 =	vmax.f32 v9, v11;
	v1 =	vmax.f32 v1, v22;
	v24 =	vld.idx.msk [tilespmem:v7+s2+$0x0], $0xffff  }
0x92: {  	v11 =	vxor.u32 v16, v12;
	v12 =	vxor.u32 v19, v12;
	v63 =	vand.u32 $0x80000000, v14;
	v21 =	vld.idx.msk [tilespmem:v7+s15+$0x0], $0xffff  }
0x93: {  	v3 =	vmin.f32 v3, v1;
	v1 =	vmax.f32 v13, v11;
	v11 =	vmax.f32 v9, v12;
	v27 =	vld.idx.msk [tilespmem:v7+s16+$0x0], $0xffff  }
0x94: {  	v9 =	vand.u32 $0x80000000, v20;
	v1 =	vmin.f32 v4, v1;
	v2 =	vmin.f32 v2, v11;
	v12 =	vld.idx.msk [tilespmem:v15+s2+$0x0], $0xffff  }
0x95: {  	v22 =	vand.u32 $0x7FFFFFFF, v5;
	v19 =	vand.u32 $0x7FFFFFFF, v6;
	v7 =	vand.u32 $0x80000000, v10;
	v14 =	vld.idx.msk [tilespmem:v15+s15+$0x0], $0xffff  }
0x96: {  	v15 =	vld.idx.msk [tilespmem:v15+s16+$0x0], $0xffff;
	v4 =	vxor.u32 v23, v9;
	v10 =	vxor.u32 v25, v63;
	v11 =	vxor.u32 v18, v7  }
0x97: {  	s26 =	simm.s32 $0x62D0;
	v16 =	vld.idx.msk [tilespmem:v17+s15+$0x0], $0xffff;
	v13 =	vxor.u32 v24, v63;
	v23 =	vand.u32 $0x7FFFFFFF, v8;
	v4 =	vmax.f32 v4, v10  }
0x98: {  	v18 =	vld.idx.msk [tilespmem:v17+s2+$0x0], $0xffff;
	v20 =	vxor.u32 v21, v63;
	v24 =	vadd.s32 s26, v0;
	v4 =	vmax.f32 v4, v11  }
0x99: {  	s29 =	simm.s32 $0x62D1;
	s28 =	simm.s32 $0x6300;
	v21 =	vxor.u32 v27, v63;
	v17 =	vld.idx.msk [tilespmem:v17+s16+$0x0], $0xffff;
	v4 =	vmin.f32 v26, v4;
	v11 =	vmovc v22;
	v10 =	vmov v23  }
.LBB2_6:
0x9a: {  	p0 =	sne.s32 s28, $0xC4B0;
	v25 =	vadd.s32 s29, v0;
	s29 =	sadd.s32 $0x2, s26;
	v22 =	vld.idx.msk [tilespmem:v22+s17+$0x0], $0xffff;
	v12 =	vxor.u32 v12, v9;
	s26 =	smov.u32 s28  }
0x9b: {  	v26 =	vadd.s32 s29, v0;
	v27 =	vld.idx.msk [tilespmem:v19+s17+$0x0], $0xffff;
	v12 =	vmax.f32 v12, v13;
	v13 =	vxor.u32 v14, v9  }
0x9c: {  	v9 =	vxor.u32 v15, v9;
	v14 =	vld.idx.msk [tilespmem:v23+s17+$0x0], $0xffff;
	v13 =	vmax.f32 v13, v20  }
0x9d: {  	v18 =	vxor.u32 v18, v7;
	v20 =	vmax.f32 v9, v21;
	v15 =	vld.idx.msk [tilespmem:v19+s2+$0x0], $0xffff  }
0x9e: {  	v9 =	vmax.f32 v12, v18;
	v12 =	vxor.u32 v16, v7;
	v21 =	vld.idx.msk [tilespmem:v24+s18+$0x0], $0xffff  }
0x9f: {  	v3 =	vmin.f32 v3, v9;
	v12 =	vmax.f32 v13, v12;
	v7 =	vxor.u32 v17, v7;
	v16 =	vld.idx.msk [tilespmem:v25+s18+$0x0], $0xffff  }
0xa0: {  	v9 =	vand.u32 $0x80000000, v5;
	v25 =	vand.u32 $0x80000000, v6;
	v5 =	vmax.f32 v20, v7;
	v17 =	vld.idx.msk [tilespmem:v26+s18+$0x0], $0xffff  }
0xa1: {  	v7 =	vand.u32 $0x80000000, v8;
	v6 =	vxor.u32 v22, v9;
	v8 =	vxor.u32 v27, v25;
	v20 =	vld.idx.msk [tilespmem:v19+s15+$0x0], $0xffff  }
0xa2: {  	v1 =	vmin.f32 v1, v12;
	v14 =	vxor.u32 v14, v7;
	v6 =	vmax.f32 v6, v8;
	v26 =	vld.idx.msk [tilespmem:v19+s16+$0x0], $0xffff  }
0xa3: {  	v2 =	vmin.f32 v2, v5;
	v13 =	vxor.u32 v15, v25;
	v8 =	vmax.f32 v6, v14;
	v12 =	vld.idx.msk [tilespmem:v11+s2+$0x0], $0xffff  }
.Ltmp2:
0xa4: {  	v22 =	vand.u32 $0x7FFFFFFF, v21;
	v4 =	vmin.f32 v4, v8;
	v5 =	vmov v21;
	v14 =	vld.idx.msk [tilespmem:v11+s15+$0x0], $0xffff;
	(pc) =	sbr.rel @p0 .LBB2_6-.Ltmp2, $4  }
0xa5: {  	v19 =	vand.u32 $0x7FFFFFFF, v16;
	v6 =	vmov v16;
	v15 =	vld.idx.msk [tilespmem:v11+s16+$0x0], $0xffff;
	v11 =	vmov v22  }
0xa6: {  	v23 =	vand.u32 $0x7FFFFFFF, v17;
	v8 =	vmov v17;
	v18 =	vld.idx.msk [tilespmem:v10+s2+$0x0], $0xffff  }
0xa7: {  	v20 =	vxor.u32 v20, v25;
	v16 =	vld.idx.msk [tilespmem:v10+s15+$0x0], $0xffff  }
0xa8: {  	s28 =	sadd.s32 $0x30, s28;
	s29 =	sadd.s32 $0x1, s26;
	v24 =	vadd.s32 s26, v0;
	v21 =	vxor.u32 v26, v25;
	v17 =	vld.idx.msk [tilespmem:v10+s16+$0x0], $0xffff;
	v10 =	vmov v23  }
0xa9: {  	_ =	sdelay $0x3  }
0xaa: {  	v22 =	vld.idx.msk [tilespmem:v22+s17+$0x0], $0xffff  }
0xab: {  	v27 =	vld.idx.msk [tilespmem:v19+s17+$0x0], $0xffff  }
0xac: {  	v23 =	vld.idx.msk [tilespmem:v23+s17+$0x0], $0xffff  }
0xad: {  	v28 =	vld.idx.msk [tilespmem:v19+s2+$0x0], $0xffff  }
0xae: {  	v25 =	vadd.s32 s29, v0;
	v24 =	vld.idx.msk [tilespmem:v24+s18+$0x0], $0xffff  }
0xaf: {  	v29 =	vld.idx.msk [tilespmem:v19+s15+$0x0], $0xffff  }
0xb0: {  	v19 =	vld.idx.msk [tilespmem:v19+s16+$0x0], $0xffff  }
0xb1: {  	s26 =	sadd.s32 $0x2, s26;
	v30 =	vld.idx.msk [tilespmem:v11+s2+$0x0], $0xffff  }
0xb2: {  	v32 =	vld.idx.msk [tilespmem:v11+s15+$0x0], $0xffff;
	v26 =	vadd.s32 s26, v0  }
0xb3: {  	v25 =	vld.idx.msk [tilespmem:v25+s18+$0x0], $0xffff  }
0xb4: {  	v11 =	vld.idx.msk [tilespmem:v11+s16+$0x0], $0xffff;
	v31 =	vand.u32 $0x7FFFFFFF, v24  }
0xb5: {  	v35 =	vld.idx.msk [tilespmem:v10+s2+$0x0], $0xffff  }
0xb6: {  	v36 =	vld.idx.msk [tilespmem:v10+s15+$0x0], $0xffff  }
0xb7: {  	v26 =	vld.idx.msk [tilespmem:v26+s18+$0x0], $0xffff  }
0xb8: {  	v10 =	vld.idx.msk [tilespmem:v10+s16+$0x0], $0xffff;
	v33 =	vand.u32 $0x7FFFFFFF, v25  }
0xb9: {  	v37 =	vld.idx.msk [tilespmem:v31+s17+$0x0], $0xffff  }
0xba: {  	v42 =	vld.idx.msk [tilespmem:v31+s2+$0x0], $0xffff  }
0xbb: {  	v43 =	vld.idx.msk [tilespmem:v31+s15+$0x0], $0xffff  }
0xbc: {  	v31 =	vld.idx.msk [tilespmem:v31+s16+$0x0], $0xffff;
	v34 =	vand.u32 $0x7FFFFFFF, v26  }
0xbd: {  	v38 =	vld.idx.msk [tilespmem:v33+s17+$0x0], $0xffff  }
0xbe: {  	v12 =	vxor.u32 v12, v9;
	v14 =	vxor.u32 v14, v9;
	v5 =	vand.u32 $0x80000000, v5;
	v40 =	vld.idx.msk [tilespmem:v33+s2+$0x0], $0xffff  }
0xbf: {  	v6 =	vand.u32 $0x80000000, v6;
	v8 =	vand.u32 $0x80000000, v8;
	v12 =	vmax.f32 v12, v13;
	v41 =	vld.idx.msk [tilespmem:v33+s15+$0x0], $0xffff  }
0xc0: {  	s30 =	simm.s32 $0x0;
	v13 =	vmax.f32 v14, v20;
	v9 =	vxor.u32 v15, v9;
	v15 =	vxor.u32 v18, v7;
	v33 =	vld.idx.msk [tilespmem:v33+s16+$0x0], $0xffff  }
0xc1: {  	s31 =	simm.s32 $0x1;
	v20 =	vadd.s32 s30, v0;
	v9 =	vmax.f32 v9, v21;
	v12 =	vmax.f32 v12, v15;
	v39 =	vld.idx.msk [tilespmem:v34+s17+$0x0], $0xffff  }
0xc2: {  	s28 =	simm.s32 $0x2;
	v15 =	vxor.u32 v16, v7;
	v16 =	vadd.s32 s31, v0;
	v3 =	vmin.f32 v3, v12;
	v44 =	vld.idx.msk [tilespmem:v34+s2+$0x0], $0xffff  }
0xc3: {  	v12 =	vmax.f32 v13, v15;
	v13 =	vadd.s32 s28, v0;
	v7 =	vxor.u32 v17, v7;
	v14 =	vld.idx.msk [tilespmem:v34+s15+$0x0], $0xffff  }
0xc4: {  	v15 =	vxor.u32 v22, v5;
	v17 =	vxor.u32 v27, v6;
	v7 =	vmax.f32 v9, v7;
	v18 =	vld.idx.msk [tilespmem:v34+s16+$0x0], $0xffff;
	_ =	swait.ge [sflag:s28], $0x6270  }
0xc5: {  	v1 =	vmin.f32 v1, v12;
	v9 =	vmax.f32 v15, v17;
	v15 =	vxor.u32 v23, v8;
	[sflag:s28] =	ssyncset.done $0x0  }
0xc6: {  	v2 =	vmin.f32 v2, v7;
	v7 =	vxor.u32 v28, v6;
	v9 =	vmax.f32 v9, v15;
	[sflag:s28] =	ssyncadd.s32 $0xFFFF9D90  }
0xc7: {  	v15 =	vxor.u32 v30, v5;
	v4 =	vmin.f32 v4, v9;
	v9 =	vxor.u32 v29, v6;
	[tilespmem:s22], [sflag:$0x2] =	stream.linear.gather [hbm4b:s11+s2], $0x6270, $0x38;
	[tilespmem:$0x16400] =	vst v63  }
0xc8: {  	v6 =	vxor.u32 v19, v6;
	v7 =	vmax.f32 v15, v7;
	v12 =	vld.idx.msk [tilespmem:v16+s18+$0x0], $0xffff;
	v16 =	vxor.u32 v32, v5  }
0xc9: {  	v17 =	vld.idx.msk [tilespmem:v20+s18+$0x0], $0xffff;
	v5 =	vxor.u32 v11, v5;
	v11 =	vxor.u32 v35, v8;
	v9 =	vmax.f32 v16, v9  }
0xca: {  	v5 =	vmax.f32 v5, v6;
	v6 =	vmax.f32 v7, v11;
	v7 =	vxor.u32 v36, v8  }
0xcb: {  	s30 =	simm.s32 $0x30;
	s31 =	simm.s32 $0x31;
	v13 =	vld.idx.msk [tilespmem:v13+s18+$0x0], $0xffff;
	v3 =	vmin.f32 v3, v6;
	v6 =	vmax.f32 v9, v7;
	v7 =	vxor.u32 v10, v8  }
0xcc: {  	v21 =	vadd.s32 s31, v0;
	v5 =	vmax.f32 v5, v7;
	v7 =	vadd.s32 s30, v0  }
0xcd: {  	v8 =	vand.u32 $0x80000000, v24;
	v9 =	vand.u32 $0x80000000, v25;
	v10 =	vand.u32 $0x80000000, v26  }
0xce: {  	v19 =	vxor.u32 v37, v8;
	v20 =	vxor.u32 v38, v9;
	v15 =	vand.u32 $0x7FFFFFFF, v17  }
0xcf: {  	v23 =	vxor.u32 v39, v10;
	v19 =	vmax.f32 v19, v20;
	v11 =	vand.u32 $0x7FFFFFFF, v12  }
0xd0: {  	s28 =	simm.s32 $0x32;
	v1 =	vmin.f32 v1, v6;
	v16 =	vand.u32 $0x7FFFFFFF, v13;
	v6 =	vmax.f32 v19, v23  }
0xd1: {  	v20 =	vadd.s32 s28, v0;
	v4 =	vmin.f32 v4, v6;
	v6 =	vld.idx.msk [tilespmem:v7+s18+$0x0], $0xffff  }
0xd2: {  	v60 =	vxor.u32 v42, v8;
	v7 =	vld.idx.msk [tilespmem:v21+s18+$0x0], $0xffff  }
0xd3: {  	v61 =	vxor.u32 v43, v8;
	v62 =	vxor.u32 v44, v10;
	v14 =	vxor.u32 v14, v10;
	v22 =	vld.idx.msk [tilespmem:v15+s17+$0x0], $0xffff  }
0xd4: {  	v18 =	vxor.u32 v18, v10;
	v19 =	vmin.f32 v2, v5;
	v5 =	vxor.u32 v40, v9;
	v58 =	vld.idx.msk [tilespmem:v11+s17+$0x0], $0xffff  }
0xd5: {  	v23 =	vxor.u32 v41, v9;
	v9 =	vxor.u32 v33, v9;
	v5 =	vmax.f32 v60, v5;
	v2 =	vld.idx.msk [tilespmem:v16+s17+$0x0], $0xffff  }
0xd6: {  	v10 =	vand.u32 $0x80000000, v17;
	v5 =	vmax.f32 v5, v62;
	v21 =	vxor.u32 v31, v8;
	v8 =	vld.idx.msk [tilespmem:v20+s18+$0x0], $0xffff  }
0xd7: {  	v23 =	vmax.f32 v61, v23;
	v3 =	vmin.f32 v3, v5;
	v5 =	vand.u32 $0x80000000, v13;
	v59 =	vld.idx.msk [tilespmem:v15+s2+$0x0], $0xffff  }
0xd8: {  	v20 =	vmax.f32 v21, v9;
	v21 =	vmax.f32 v23, v14;
	v9 =	vand.u32 $0x80000000, v12;
	v23 =	vld.idx.msk [tilespmem:v11+s2+$0x0], $0xffff  }
0xd9: {  	v63 =	vld.idx.msk [tilespmem:v15+s15+$0x0], $0xffff;
	v17 =	vmax.f32 v20, v18;
	v12 =	vxor.u32 v22, v10;
	v13 =	vxor.u32 v58, v9  }
0xda: {  	v14 =	vld.idx.msk [tilespmem:v11+s15+$0x0], $0xffff;
	v18 =	vxor.u32 v2, v5;
	v2 =	vmin.f32 v1, v21;
	v12 =	vmax.f32 v12, v13  }
0xdb: {  	v1 =	vmin.f32 v19, v17;
	v17 =	vld.idx.msk [tilespmem:v11+s16+$0x0], $0xffff;
	v11 =	vand.u32 $0x7FFFFFFF, v6;
	v12 =	vmax.f32 v12, v18  }
0xdc: {  	v15 =	vld.idx.msk [tilespmem:v15+s16+$0x0], $0xffff;
	v13 =	vxor.u32 v59, v10;
	v4 =	vmin.f32 v4, v12;
	v12 =	vand.u32 $0x7FFFFFFF, v7  }
0xdd: {  	v19 =	vld.idx.msk [tilespmem:v16+s2+$0x0], $0xffff;
	v22 =	vand.u32 $0x7FFFFFFF, v8  }
0xde: {  	s28 =	simm.s32 $0x60;
	v20 =	vxor.u32 v23, v9;
	v18 =	vld.idx.msk [tilespmem:v16+s15+$0x0], $0xffff  }
0xdf: {  	s29 =	simm.s32 $0x61;
	s26 =	simm.s32 $0x62;
	v23 =	vadd.s32 s28, v0;
	s28 =	simm.s32 $0x92;
	v21 =	vxor.u32 v63, v10;
	v20 =	vmax.f32 v13, v20;
	v16 =	vld.idx.msk [tilespmem:v16+s16+$0x0], $0xffff;
	v13 =	vmovc v22  }
.LBB2_8:
0xe0: {  	p0 =	sne.s32 s28, $0x6242;
	v24 =	vadd.s32 s29, v0;
	v25 =	vld.idx.msk [tilespmem:v11+s17+$0x0], $0xffff;
	v14 =	vxor.u32 v14, v9  }
0xe1: {  	v26 =	vadd.s32 s26, v0;
	v10 =	vxor.u32 v15, v10;
	s26 =	smov.u32 s28;
	v27 =	vld.idx.msk [tilespmem:v12+s17+$0x0], $0xffff;
	v14 =	vmax.f32 v21, v14  }
0xe2: {  	v9 =	vxor.u32 v17, v9;
	v15 =	vld.idx.msk [tilespmem:v22+s17+$0x0], $0xffff  }
0xe3: {  	v19 =	vxor.u32 v19, v5;
	v21 =	vmax.f32 v10, v9;
	v17 =	vld.idx.msk [tilespmem:v11+s2+$0x0], $0xffff  }
0xe4: {  	v9 =	vmax.f32 v20, v19;
	v10 =	vxor.u32 v18, v5;
	v22 =	vld.idx.msk [tilespmem:v23+s18+$0x0], $0xffff  }
0xe5: {  	v3 =	vmin.f32 v3, v9;
	v14 =	vmax.f32 v14, v10;
	v5 =	vxor.u32 v16, v5;
	v18 =	vld.idx.msk [tilespmem:v24+s18+$0x0], $0xffff  }
0xe6: {  	v10 =	vand.u32 $0x80000000, v6;
	v9 =	vand.u32 $0x80000000, v7;
	v6 =	vmax.f32 v21, v5;
	v16 =	vld.idx.msk [tilespmem:v26+s18+$0x0], $0xffff  }
0xe7: {  	v5 =	vand.u32 $0x80000000, v8;
	v7 =	vxor.u32 v25, v10;
	v8 =	vxor.u32 v27, v9;
	v20 =	vld.idx.msk [tilespmem:v12+s2+$0x0], $0xffff  }
0xe8: {  	v2 =	vmin.f32 v2, v14;
	v15 =	vxor.u32 v15, v5;
	v7 =	vmax.f32 v7, v8;
	v21 =	vld.idx.msk [tilespmem:v11+s15+$0x0], $0xffff  }
0xe9: {  	v1 =	vmin.f32 v1, v6;
	v24 =	vxor.u32 v17, v10;
	v8 =	vmax.f32 v7, v15;
	v14 =	vld.idx.msk [tilespmem:v12+s15+$0x0], $0xffff  }
.Ltmp3:
0xea: {  	v4 =	vmin.f32 v4, v8;
	v6 =	vmov v22;
	v15 =	vld.idx.msk [tilespmem:v11+s16+$0x0], $0xffff;
	v11 =	vand.u32 $0x7FFFFFFF, v22;
	(pc) =	sbr.rel @p0 .LBB2_8-.Ltmp3, $4  }
0xeb: {  	v7 =	vmov v18;
	v17 =	vld.idx.msk [tilespmem:v12+s16+$0x0], $0xffff;
	v12 =	vand.u32 $0x7FFFFFFF, v18  }
0xec: {  	v22 =	vand.u32 $0x7FFFFFFF, v16;
	v8 =	vmov v16;
	v19 =	vld.idx.msk [tilespmem:v13+s2+$0x0], $0xffff  }
0xed: {  	s29 =	sadd.s32 $0xFFFFFFFE, s28;
	v16 =	vxor.u32 v20, v9;
	v18 =	vld.idx.msk [tilespmem:v13+s15+$0x0], $0xffff  }
0xee: {  	s28 =	sadd.s32 $0x30, s28;
	v23 =	vadd.s32 s29, v0;
	s29 =	sadd.s32 $0xFFFFFFFF, s26;
	v20 =	vmax.f32 v24, v16;
	v21 =	vxor.u32 v21, v10;
	v16 =	vld.idx.msk [tilespmem:v13+s16+$0x0], $0xffff;
	v13 =	vmovc v22  }
0xef: {  	_ =	sdelay $0x3  }
0xf0: {  	v25 =	vld.idx.msk [tilespmem:v11+s17+$0x0], $0xffff  }
0xf1: {  	v27 =	vld.idx.msk [tilespmem:v12+s17+$0x0], $0xffff  }
0xf2: {  	v22 =	vld.idx.msk [tilespmem:v22+s17+$0x0], $0xffff  }
0xf3: {  	v28 =	vld.idx.msk [tilespmem:v11+s2+$0x0], $0xffff  }
0xf4: {  	v24 =	vadd.s32 s29, v0;
	v23 =	vld.idx.msk [tilespmem:v23+s18+$0x0], $0xffff  }
0xf5: {  	v26 =	vadd.s32 s26, v0;
	v29 =	vld.idx.msk [tilespmem:v12+s2+$0x0], $0xffff  }
0xf6: {  	v30 =	vld.idx.msk [tilespmem:v11+s15+$0x0], $0xffff  }
0xf7: {  	v31 =	vld.idx.msk [tilespmem:v12+s15+$0x0], $0xffff  }
0xf8: {  	v11 =	vld.idx.msk [tilespmem:v11+s16+$0x0], $0xffff  }
0xf9: {  	v24 =	vld.idx.msk [tilespmem:v24+s18+$0x0], $0xffff  }
0xfa: {  	v26 =	vld.idx.msk [tilespmem:v26+s18+$0x0], $0xffff;
	v32 =	vand.u32 $0x7FFFFFFF, v23  }
0xfb: {  	v12 =	vld.idx.msk [tilespmem:v12+s16+$0x0], $0xffff  }
0xfc: {  	v35 =	vld.idx.msk [tilespmem:v13+s2+$0x0], $0xffff  }
0xfd: {  	v36 =	vld.idx.msk [tilespmem:v13+s15+$0x0], $0xffff  }
0xfe: {  	v13 =	vld.idx.msk [tilespmem:v13+s16+$0x0], $0xffff;
	v33 =	vand.u32 $0x7FFFFFFF, v24  }
0xff: {  	v34 =	vand.u32 $0x7FFFFFFF, v26;
	v37 =	vld.idx.msk [tilespmem:v32+s17+$0x0], $0xffff  }
0x100: {  	v40 =	vld.idx.msk [tilespmem:v32+s2+$0x0], $0xffff  }
0x101: {  	v42 =	vld.idx.msk [tilespmem:v32+s15+$0x0], $0xffff  }
0x102: {  	v14 =	vxor.u32 v14, v9;
	v32 =	vld.idx.msk [tilespmem:v32+s16+$0x0], $0xffff  }
0x103: {  	v10 =	vxor.u32 v15, v10;
	v6 =	vand.u32 $0x80000000, v6;
	v7 =	vand.u32 $0x80000000, v7;
	v38 =	vld.idx.msk [tilespmem:v33+s17+$0x0], $0xffff  }
0x104: {  	s30 =	simm.s32 $0x6270;
	v8 =	vand.u32 $0x80000000, v8;
	v14 =	vmax.f32 v21, v14;
	v9 =	vxor.u32 v17, v9;
	v39 =	vld.idx.msk [tilespmem:v34+s17+$0x0], $0xffff  }
0x105: {  	s31 =	simm.s32 $0x6271;
	v21 =	vadd.s32 s30, v0;
	v17 =	vxor.u32 v19, v5;
	v9 =	vmax.f32 v10, v9;
	v41 =	vld.idx.msk [tilespmem:v33+s2+$0x0], $0xffff  }
0x106: {  	s30 =	simm.s32 $0x6272;
	v10 =	vmax.f32 v20, v17;
	v17 =	vadd.s32 s31, v0;
	v18 =	vxor.u32 v18, v5;
	v43 =	vld.idx.msk [tilespmem:v33+s15+$0x0], $0xffff  }
0x107: {  	v3 =	vmin.f32 v3, v10;
	v10 =	vadd.s32 s30, v0;
	v14 =	vmax.f32 v14, v18;
	v33 =	vld.idx.msk [tilespmem:v33+s16+$0x0], $0xffff  }
0x108: {  	v5 =	vxor.u32 v16, v5;
	v18 =	vxor.u32 v25, v6;
	v20 =	vxor.u32 v27, v7;
	v44 =	vld.idx.msk [tilespmem:v34+s2+$0x0], $0xffff  }
0x109: {  	v5 =	vmax.f32 v9, v5;
	v16 =	vmax.f32 v18, v20;
	v18 =	vxor.u32 v22, v8;
	v15 =	vld.idx.msk [tilespmem:v34+s15+$0x0], $0xffff  }
0x10a: {  	v1 =	vmin.f32 v1, v5;
	v5 =	vxor.u32 v28, v6;
	v9 =	vmax.f32 v16, v18;
	v19 =	vld.idx.msk [tilespmem:v34+s16+$0x0], $0xffff;
	_ =	swait.ge [sflag:s23], $0x6270  }
0x10b: {  	v16 =	vxor.u32 v30, v6;
	v4 =	vmin.f32 v4, v9;
	v9 =	vxor.u32 v29, v7;
	[sflag:s23] =	ssyncset.done $0x0  }
0x10c: {  	s31 =	simm.s32 $0x62A0;
	v6 =	vxor.u32 v11, v6;
	v11 =	vxor.u32 v35, v8;
	v5 =	vmax.f32 v5, v9;
	[sflag:s23] =	ssyncadd.s32 $0xFFFF9D90  }
0x10d: {  	v2 =	vmin.f32 v2, v14;
	v5 =	vmax.f32 v5, v11;
	v11 =	vxor.u32 v36, v8;
	[tilespmem:s18], [sflag:$0x2] =	stream.linear.gather [hbm4b:s12+s2], $0x6270, $0x38;
	[tilespmem:$0x16400] =	vst v63  }
0x10e: {  	v8 =	vxor.u32 v13, v8;
	v13 =	vadd.s32 s31, v0;
	v3 =	vmin.f32 v3, v5;
	v20 =	vld.idx.msk [tilespmem:v21+s18+$0x0], $0xffff  }
0x10f: {  	s30 =	simm.s32 $0x62A1;
	v14 =	vld.idx.msk [tilespmem:v17+s18+$0x0], $0xffff;
	v17 =	vxor.u32 v31, v7;
	v7 =	vxor.u32 v12, v7;
	v12 =	vand.u32 $0x80000000, v26  }
0x110: {  	v10 =	vld.idx.msk [tilespmem:v10+s18+$0x0], $0xffff;
	v21 =	vadd.s32 s30, v0;
	v9 =	vmax.f32 v16, v17;
	v6 =	vmax.f32 v6, v7  }
0x111: {  	v5 =	vmax.f32 v9, v11;
	v9 =	vand.u32 $0x80000000, v23;
	v11 =	vand.u32 $0x80000000, v24  }
0x112: {  	s31 =	simm.s32 $0x62A2;
	v23 =	vxor.u32 v39, v12;
	v17 =	vxor.u32 v37, v9;
	v18 =	vxor.u32 v38, v11  }
0x113: {  	v6 =	vmax.f32 v6, v8;
	v17 =	vmax.f32 v17, v18;
	v18 =	vadd.s32 s31, v0  }
0x114: {  	v2 =	vmin.f32 v2, v5;
	v8 =	vxor.u32 v40, v9;
	v16 =	vand.u32 $0x7FFFFFFF, v20  }
0x115: {  	v7 =	vand.u32 $0x7FFFFFFF, v14;
	v25 =	vand.u32 $0x7FFFFFFF, v10;
	v5 =	vmax.f32 v17, v23  }
0x116: {  	v23 =	vmin.f32 v1, v6;
	v1 =	vxor.u32 v41, v11;
	v6 =	vld.idx.msk [tilespmem:v21+s18+$0x0], $0xffff;
	v4 =	vmin.f32 v4, v5  }
0x117: {  	v1 =	vmax.f32 v8, v1;
	v8 =	vxor.u32 v42, v9;
	v5 =	vld.idx.msk [tilespmem:v13+s18+$0x0], $0xffff;
	v13 =	vxor.u32 v43, v11  }
0x118: {  	v13 =	vmax.f32 v8, v13;
	v8 =	vld.idx.msk [tilespmem:v18+s18+$0x0], $0xffff  }
0x119: {  	v22 =	vld.idx.msk [tilespmem:v16+s17+$0x0], $0xffff  }
0x11a: {  	v24 =	vld.idx.msk [tilespmem:v7+s17+$0x0], $0xffff  }
0x11b: {  	v9 =	vxor.u32 v32, v9;
	v11 =	vxor.u32 v33, v11;
	v17 =	vld.idx.msk [tilespmem:v25+s17+$0x0], $0xffff  }
0x11c: {  	v21 =	vxor.u32 v44, v12;
	v63 =	vand.u32 $0x80000000, v14;
	v9 =	vmax.f32 v9, v11;
	v26 =	vld.idx.msk [tilespmem:v7+s2+$0x0], $0xffff  }
0x11d: {  	v1 =	vmax.f32 v1, v21;
	v11 =	vxor.u32 v15, v12;
	v12 =	vxor.u32 v19, v12;
	v21 =	vld.idx.msk [tilespmem:v7+s15+$0x0], $0xffff  }
0x11e: {  	v3 =	vmin.f32 v3, v1;
	v1 =	vmax.f32 v13, v11;
	v11 =	vmax.f32 v9, v12;
	v27 =	vld.idx.msk [tilespmem:v7+s16+$0x0], $0xffff  }
0x11f: {  	v9 =	vand.u32 $0x80000000, v20;
	v1 =	vmin.f32 v2, v1;
	v2 =	vmin.f32 v23, v11;
	v12 =	vld.idx.msk [tilespmem:v16+s2+$0x0], $0xffff  }
0x120: {  	v7 =	vand.u32 $0x80000000, v10;
	v14 =	vld.idx.msk [tilespmem:v16+s15+$0x0], $0xffff;
	v10 =	vxor.u32 v22, v9;
	v13 =	vxor.u32 v24, v63  }
0x121: {  	v15 =	vld.idx.msk [tilespmem:v16+s16+$0x0], $0xffff;
	v11 =	vxor.u32 v17, v7;
	v22 =	vand.u32 $0x7FFFFFFF, v5;
	v10 =	vmax.f32 v10, v13  }
0x122: {  	v18 =	vld.idx.msk [tilespmem:v25+s2+$0x0], $0xffff;
	v19 =	vand.u32 $0x7FFFFFFF, v6;
	v10 =	vmax.f32 v10, v11  }
0x123: {  	v16 =	vld.idx.msk [tilespmem:v25+s16+$0x0], $0xffff;
	v23 =	vand.u32 $0x7FFFFFFF, v8  }
0x124: {  	s26 =	simm.s32 $0x62D0;
	v17 =	vld.idx.msk [tilespmem:v25+s15+$0x0], $0xffff;
	v20 =	vxor.u32 v21, v63;
	v21 =	vxor.u32 v27, v63  }
0x125: {  	s29 =	simm.s32 $0x62D1;
	s28 =	simm.s32 $0x6300;
	v24 =	vadd.s32 s26, v0;
	v13 =	vxor.u32 v26, v63;
	v4 =	vmin.f32 v4, v10;
	v11 =	vmovc v22;
	v10 =	vmovc v23  }
.LBB2_10:
0x126: {  	p0 =	sne.s32 s28, $0xC4B0;
	v25 =	vadd.s32 s29, v0;
	s29 =	sadd.s32 $0x2, s26;
	v22 =	vld.idx.msk [tilespmem:v22+s17+$0x0], $0xffff;
	v12 =	vxor.u32 v12, v9;
	s26 =	smov.u32 s28  }
0x127: {  	v26 =	vadd.s32 s29, v0;
	v27 =	vld.idx.msk [tilespmem:v19+s17+$0x0], $0xffff;
	v12 =	vmax.f32 v12, v13;
	v13 =	vxor.u32 v14, v9  }
0x128: {  	v9 =	vxor.u32 v15, v9;
	v14 =	vld.idx.msk [tilespmem:v23+s17+$0x0], $0xffff;
	v13 =	vmax.f32 v13, v20  }
0x129: {  	v18 =	vxor.u32 v18, v7;
	v20 =	vmax.f32 v9, v21;
	v15 =	vld.idx.msk [tilespmem:v19+s2+$0x0], $0xffff  }
0x12a: {  	v9 =	vmax.f32 v12, v18;
	v12 =	vxor.u32 v17, v7;
	v21 =	vld.idx.msk [tilespmem:v24+s18+$0x0], $0xffff  }
0x12b: {  	v3 =	vmin.f32 v3, v9;
	v12 =	vmax.f32 v13, v12;
	v7 =	vxor.u32 v16, v7;
	v17 =	vld.idx.msk [tilespmem:v25+s18+$0x0], $0xffff  }
0x12c: {  	v9 =	vand.u32 $0x80000000, v5;
	v25 =	vand.u32 $0x80000000, v6;
	v5 =	vmax.f32 v20, v7;
	v16 =	vld.idx.msk [tilespmem:v26+s18+$0x0], $0xffff  }
0x12d: {  	v7 =	vand.u32 $0x80000000, v8;
	v6 =	vxor.u32 v22, v9;
	v8 =	vxor.u32 v27, v25;
	v20 =	vld.idx.msk [tilespmem:v19+s15+$0x0], $0xffff  }
0x12e: {  	v1 =	vmin.f32 v1, v12;
	v14 =	vxor.u32 v14, v7;
	v6 =	vmax.f32 v6, v8;
	v26 =	vld.idx.msk [tilespmem:v19+s16+$0x0], $0xffff  }
0x12f: {  	v2 =	vmin.f32 v2, v5;
	v13 =	vxor.u32 v15, v25;
	v8 =	vmax.f32 v6, v14;
	v12 =	vld.idx.msk [tilespmem:v11+s2+$0x0], $0xffff  }
.Ltmp4:
0x130: {  	v22 =	vand.u32 $0x7FFFFFFF, v21;
	v4 =	vmin.f32 v4, v8;
	v5 =	vmov v21;
	v14 =	vld.idx.msk [tilespmem:v11+s15+$0x0], $0xffff;
	(pc) =	sbr.rel @p0 .LBB2_10-.Ltmp4, $4  }
0x131: {  	v19 =	vand.u32 $0x7FFFFFFF, v17;
	v6 =	vmov v17;
	v15 =	vld.idx.msk [tilespmem:v11+s16+$0x0], $0xffff;
	v11 =	vmov v22  }
0x132: {  	v23 =	vand.u32 $0x7FFFFFFF, v16;
	v8 =	vmov v16;
	v18 =	vld.idx.msk [tilespmem:v10+s2+$0x0], $0xffff  }
0x133: {  	v20 =	vxor.u32 v20, v25;
	v17 =	vld.idx.msk [tilespmem:v10+s15+$0x0], $0xffff  }
0x134: {  	s28 =	sadd.s32 $0x30, s28;
	s29 =	sadd.s32 $0x1, s26;
	v24 =	vadd.s32 s26, v0;
	v21 =	vxor.u32 v26, v25;
	v16 =	vld.idx.msk [tilespmem:v10+s16+$0x0], $0xffff;
	v10 =	vmov v23  }
0x135: {  	_ =	sdelay $0x3  }
0x136: {  	v22 =	vld.idx.msk [tilespmem:v22+s17+$0x0], $0xffff  }
0x137: {  	v27 =	vld.idx.msk [tilespmem:v19+s17+$0x0], $0xffff  }
0x138: {  	v23 =	vld.idx.msk [tilespmem:v23+s17+$0x0], $0xffff  }
0x139: {  	v28 =	vld.idx.msk [tilespmem:v19+s2+$0x0], $0xffff  }
0x13a: {  	v25 =	vadd.s32 s29, v0;
	v24 =	vld.idx.msk [tilespmem:v24+s18+$0x0], $0xffff  }
0x13b: {  	v29 =	vld.idx.msk [tilespmem:v19+s15+$0x0], $0xffff  }
0x13c: {  	v19 =	vld.idx.msk [tilespmem:v19+s16+$0x0], $0xffff  }
0x13d: {  	s26 =	sadd.s32 $0x2, s26;
	v30 =	vld.idx.msk [tilespmem:v11+s2+$0x0], $0xffff  }
0x13e: {  	v32 =	vld.idx.msk [tilespmem:v11+s15+$0x0], $0xffff;
	v26 =	vadd.s32 s26, v0  }
0x13f: {  	v25 =	vld.idx.msk [tilespmem:v25+s18+$0x0], $0xffff  }
0x140: {  	v11 =	vld.idx.msk [tilespmem:v11+s16+$0x0], $0xffff;
	v31 =	vand.u32 $0x7FFFFFFF, v24  }
0x141: {  	v35 =	vld.idx.msk [tilespmem:v10+s2+$0x0], $0xffff  }
0x142: {  	v36 =	vld.idx.msk [tilespmem:v10+s15+$0x0], $0xffff  }
0x143: {  	v26 =	vld.idx.msk [tilespmem:v26+s18+$0x0], $0xffff  }
0x144: {  	v10 =	vld.idx.msk [tilespmem:v10+s16+$0x0], $0xffff;
	v33 =	vand.u32 $0x7FFFFFFF, v25  }
0x145: {  	v37 =	vld.idx.msk [tilespmem:v31+s17+$0x0], $0xffff  }
0x146: {  	v42 =	vld.idx.msk [tilespmem:v31+s2+$0x0], $0xffff  }
0x147: {  	v12 =	vxor.u32 v12, v9;
	v43 =	vld.idx.msk [tilespmem:v31+s15+$0x0], $0xffff  }
0x148: {  	v14 =	vxor.u32 v14, v9;
	v5 =	vand.u32 $0x80000000, v5;
	v31 =	vld.idx.msk [tilespmem:v31+s16+$0x0], $0xffff;
	v34 =	vand.u32 $0x7FFFFFFF, v26  }
0x149: {  	v6 =	vand.u32 $0x80000000, v6;
	v8 =	vand.u32 $0x80000000, v8;
	v12 =	vmax.f32 v12, v13;
	v38 =	vld.idx.msk [tilespmem:v33+s17+$0x0], $0xffff  }
0x14a: {  	s30 =	simm.s32 $0x0;
	v13 =	vmax.f32 v14, v20;
	v9 =	vxor.u32 v15, v9;
	v15 =	vxor.u32 v18, v7;
	v40 =	vld.idx.msk [tilespmem:v33+s2+$0x0], $0xffff  }
0x14b: {  	s31 =	simm.s32 $0x1;
	v20 =	vadd.s32 s30, v0;
	v9 =	vmax.f32 v9, v21;
	v12 =	vmax.f32 v12, v15;
	v41 =	vld.idx.msk [tilespmem:v33+s15+$0x0], $0xffff  }
0x14c: {  	s28 =	simm.s32 $0x2;
	v21 =	vadd.s32 s31, v0;
	v15 =	vxor.u32 v17, v7;
	v3 =	vmin.f32 v3, v12;
	v33 =	vld.idx.msk [tilespmem:v33+s16+$0x0], $0xffff  }
0x14d: {  	v12 =	vmax.f32 v13, v15;
	v13 =	vadd.s32 s28, v0;
	v7 =	vxor.u32 v16, v7;
	v39 =	vld.idx.msk [tilespmem:v34+s17+$0x0], $0xffff  }
0x14e: {  	v15 =	vxor.u32 v22, v5;
	v16 =	vxor.u32 v27, v6;
	v7 =	vmax.f32 v9, v7;
	v14 =	vld.idx.msk [tilespmem:v34+s2+$0x0], $0xffff  }
0x14f: {  	v1 =	vmin.f32 v1, v12;
	v9 =	vmax.f32 v15, v16;
	v15 =	vxor.u32 v23, v8;
	v18 =	vld.idx.msk [tilespmem:v34+s15+$0x0], $0xffff  }
0x150: {  	v2 =	vmin.f32 v2, v7;
	v7 =	vxor.u32 v28, v6;
	v9 =	vmax.f32 v9, v15;
	v17 =	vld.idx.msk [tilespmem:v34+s16+$0x0], $0xffff;
	_ =	swait.ge [sflag:s28], $0x6270  }
0x151: {  	v15 =	vxor.u32 v30, v5;
	v4 =	vmin.f32 v4, v9;
	v9 =	vxor.u32 v29, v6;
	[sflag:s28] =	ssyncset.done $0x0  }
0x152: {  	v6 =	vxor.u32 v19, v6;
	v19 =	vxor.u32 v32, v5;
	v7 =	vmax.f32 v15, v7;
	[sflag:s28] =	ssyncadd.s32 $0xFFFF9D90  }
0x153: {  	v5 =	vxor.u32 v11, v5;
	v11 =	vxor.u32 v35, v8;
	v9 =	vmax.f32 v19, v9;
	v16 =	vld.idx.msk [tilespmem:v20+s18+$0x0], $0xffff  }
0x154: {  	v5 =	vmax.f32 v5, v6;
	v6 =	vmax.f32 v7, v11;
	v7 =	vxor.u32 v36, v8;
	v12 =	vld.idx.msk [tilespmem:v21+s18+$0x0], $0xffff  }
0x155: {  	s30 =	simm.s32 $0x30;
	v3 =	vmin.f32 v3, v6;
	v6 =	vmax.f32 v9, v7;
	v7 =	vxor.u32 v10, v8;
	v13 =	vld.idx.msk [tilespmem:v13+s18+$0x0], $0xffff  }
0x156: {  	s31 =	simm.s32 $0x31;
	v5 =	vmax.f32 v5, v7;
	v7 =	vadd.s32 s30, v0  }
0x157: {  	v22 =	vadd.s32 s31, v0  }
0x158: {  	v8 =	vand.u32 $0x80000000, v24;
	v9 =	vand.u32 $0x80000000, v25;
	v15 =	vand.u32 $0x7FFFFFFF, v16  }
0x159: {  	v10 =	vand.u32 $0x80000000, v26;
	v2 =	vmin.f32 v2, v5;
	v11 =	vand.u32 $0x7FFFFFFF, v12  }
0x15a: {  	s28 =	simm.s32 $0x32;
	v20 =	vxor.u32 v37, v8;
	v21 =	vxor.u32 v38, v9;
	v19 =	vand.u32 $0x7FFFFFFF, v13  }
0x15b: {  	v5 =	vld.idx.msk [tilespmem:v7+s18+$0x0], $0xffff;
	v57 =	vxor.u32 v39, v10;
	v20 =	vmax.f32 v20, v21;
	v21 =	vadd.s32 s28, v0  }
0x15c: {  	v1 =	vmin.f32 v1, v6;
	v7 =	vld.idx.msk [tilespmem:v22+s18+$0x0], $0xffff;
	v6 =	vmax.f32 v20, v57  }
0x15d: {  	v62 =	vxor.u32 v43, v8;
	v59 =	vxor.u32 v40, v9;
	v60 =	vmin.f32 v4, v6;
	v23 =	vld.idx.msk [tilespmem:v15+s17+$0x0], $0xffff  }
0x15e: {  	v4 =	vxor.u32 v41, v9;
	v6 =	vxor.u32 v33, v9;
	v9 =	vxor.u32 v42, v8;
	v58 =	vld.idx.msk [tilespmem:v11+s17+$0x0], $0xffff  }
0x15f: {  	v22 =	vxor.u32 v31, v8;
	v14 =	vxor.u32 v14, v10;
	v9 =	vmax.f32 v9, v59;
	v20 =	vld.idx.msk [tilespmem:v19+s17+$0x0], $0xffff  }
0x160: {  	v4 =	vmax.f32 v62, v4;
	v9 =	vmax.f32 v9, v14;
	v14 =	vxor.u32 v18, v10;
	v8 =	vld.idx.msk [tilespmem:v21+s18+$0x0], $0xffff  }
0x161: {  	v18 =	vmax.f32 v22, v6;
	v3 =	vmin.f32 v3, v9;
	v4 =	vmax.f32 v4, v14;
	v61 =	vld.idx.msk [tilespmem:v15+s2+$0x0], $0xffff  }
0x162: {  	v14 =	vxor.u32 v17, v10;
	v10 =	vand.u32 $0x80000000, v16;
	v9 =	vand.u32 $0x80000000, v12;
	v22 =	vld.idx.msk [tilespmem:v11+s2+$0x0], $0xffff  }
0x163: {  	v6 =	vand.u32 $0x80000000, v13;
	v63 =	vld.idx.msk [tilespmem:v15+s15+$0x0], $0xffff;
	v12 =	vxor.u32 v23, v10;
	v13 =	vxor.u32 v58, v9  }
0x164: {  	v17 =	vmax.f32 v18, v14;
	v16 =	vld.idx.msk [tilespmem:v11+s15+$0x0], $0xffff;
	v18 =	vxor.u32 v20, v6;
	v12 =	vmax.f32 v12, v13  }
0x165: {  	v4 =	vmin.f32 v1, v4;
	v14 =	vld.idx.msk [tilespmem:v15+s16+$0x0], $0xffff;
	v1 =	vmax.f32 v12, v18;
	v12 =	vand.u32 $0x7FFFFFFF, v5  }
0x166: {  	v15 =	vld.idx.msk [tilespmem:v11+s16+$0x0], $0xffff;
	v11 =	vxor.u32 v61, v10;
	v13 =	vand.u32 $0x7FFFFFFF, v7  }
0x167: {  	v2 =	vmin.f32 v2, v17;
	v17 =	vld.idx.msk [tilespmem:v19+s2+$0x0], $0xffff;
	v21 =	vand.u32 $0x7FFFFFFF, v8  }
0x168: {  	s28 =	simm.s32 $0x60;
	v20 =	vxor.u32 v22, v9;
	v23 =	vxor.u32 v63, v10;
	v18 =	vld.idx.msk [tilespmem:v19+s15+$0x0], $0xffff  }
0x169: {  	s29 =	simm.s32 $0x61;
	s26 =	simm.s32 $0x62;
	v22 =	vadd.s32 s28, v0;
	s28 =	simm.s32 $0x92;
	v20 =	vmax.f32 v11, v20;
	v19 =	vld.idx.msk [tilespmem:v19+s16+$0x0], $0xffff;
	v1 =	vmin.f32 v60, v1;
	v11 =	vmovc v21  }
.LBB2_12:
0x16a: {  	p0 =	sne.s32 s28, $0x6242;
	v24 =	vadd.s32 s29, v0;
	v25 =	vld.idx.msk [tilespmem:v12+s17+$0x0], $0xffff;
	v16 =	vxor.u32 v16, v9  }
0x16b: {  	v26 =	vadd.s32 s26, v0;
	v10 =	vxor.u32 v14, v10;
	s26 =	smov.u32 s28;
	v27 =	vld.idx.msk [tilespmem:v13+s17+$0x0], $0xffff;
	v16 =	vmax.f32 v23, v16  }
0x16c: {  	v9 =	vxor.u32 v15, v9;
	v14 =	vld.idx.msk [tilespmem:v21+s17+$0x0], $0xffff  }
0x16d: {  	v17 =	vxor.u32 v17, v6;
	v21 =	vmax.f32 v10, v9;
	v15 =	vld.idx.msk [tilespmem:v12+s2+$0x0], $0xffff  }
0x16e: {  	v9 =	vmax.f32 v20, v17;
	v10 =	vxor.u32 v18, v6;
	v22 =	vld.idx.msk [tilespmem:v22+s18+$0x0], $0xffff  }
0x16f: {  	v3 =	vmin.f32 v3, v9;
	v16 =	vmax.f32 v16, v10;
	v6 =	vxor.u32 v19, v6;
	v17 =	vld.idx.msk [tilespmem:v24+s18+$0x0], $0xffff  }
0x170: {  	v10 =	vand.u32 $0x80000000, v5;
	v9 =	vand.u32 $0x80000000, v7;
	v5 =	vmax.f32 v21, v6;
	v18 =	vld.idx.msk [tilespmem:v26+s18+$0x0], $0xffff  }
0x171: {  	v6 =	vand.u32 $0x80000000, v8;
	v7 =	vxor.u32 v25, v10;
	v8 =	vxor.u32 v27, v9;
	v19 =	vld.idx.msk [tilespmem:v13+s2+$0x0], $0xffff  }
0x172: {  	v4 =	vmin.f32 v4, v16;
	v14 =	vxor.u32 v14, v6;
	v7 =	vmax.f32 v7, v8;
	v23 =	vld.idx.msk [tilespmem:v12+s15+$0x0], $0xffff  }
0x173: {  	v2 =	vmin.f32 v2, v5;
	v20 =	vxor.u32 v15, v10;
	v8 =	vmax.f32 v7, v14;
	v16 =	vld.idx.msk [tilespmem:v13+s15+$0x0], $0xffff  }
.Ltmp5:
0x174: {  	v1 =	vmin.f32 v1, v8;
	v5 =	vmov v22;
	v14 =	vld.idx.msk [tilespmem:v12+s16+$0x0], $0xffff;
	v12 =	vand.u32 $0x7FFFFFFF, v22;
	(pc) =	sbr.rel @p0 .LBB2_12-.Ltmp5, $4  }
0x175: {  	v7 =	vmov v17;
	v15 =	vld.idx.msk [tilespmem:v13+s16+$0x0], $0xffff;
	v13 =	vand.u32 $0x7FFFFFFF, v17  }
0x176: {  	v21 =	vand.u32 $0x7FFFFFFF, v18;
	v8 =	vmov v18;
	v17 =	vld.idx.msk [tilespmem:v11+s2+$0x0], $0xffff  }
0x177: {  	s29 =	sadd.s32 $0xFFFFFFFE, s28;
	v19 =	vxor.u32 v19, v9;
	v18 =	vld.idx.msk [tilespmem:v11+s15+$0x0], $0xffff  }
0x178: {  	s28 =	sadd.s32 $0x30, s28;
	v22 =	vadd.s32 s29, v0;
	s29 =	sadd.s32 $0xFFFFFFFF, s26;
	v20 =	vmax.f32 v20, v19;
	v23 =	vxor.u32 v23, v10;
	v19 =	vld.idx.msk [tilespmem:v11+s16+$0x0], $0xffff;
	v11 =	vmovc v21  }
0x179: {  	_ =	sdelay $0x3  }
0x17a: {  	v25 =	vld.idx.msk [tilespmem:v12+s17+$0x0], $0xffff  }
0x17b: {  	v27 =	vld.idx.msk [tilespmem:v13+s17+$0x0], $0xffff  }
0x17c: {  	v21 =	vld.idx.msk [tilespmem:v21+s17+$0x0], $0xffff  }
0x17d: {  	v28 =	vld.idx.msk [tilespmem:v12+s2+$0x0], $0xffff  }
0x17e: {  	v24 =	vadd.s32 s29, v0;
	v22 =	vld.idx.msk [tilespmem:v22+s18+$0x0], $0xffff  }
0x17f: {  	v26 =	vadd.s32 s26, v0;
	v29 =	vld.idx.msk [tilespmem:v13+s2+$0x0], $0xffff  }
0x180: {  	v30 =	vld.idx.msk [tilespmem:v12+s15+$0x0], $0xffff  }
0x181: {  	v31 =	vld.idx.msk [tilespmem:v13+s15+$0x0], $0xffff  }
0x182: {  	v50 =	vld.idx.msk [tilespmem:v12+s16+$0x0], $0xffff  }
0x183: {  	v24 =	vld.idx.msk [tilespmem:v24+s18+$0x0], $0xffff  }
0x184: {  	v26 =	vld.idx.msk [tilespmem:v26+s18+$0x0], $0xffff;
	v32 =	vand.u32 $0x7FFFFFFF, v22  }
0x185: {  	v52 =	vld.idx.msk [tilespmem:v13+s16+$0x0], $0xffff  }
0x186: {  	v16 =	vxor.u32 v16, v9;
	v10 =	vxor.u32 v14, v10;
	v33 =	vld.idx.msk [tilespmem:v11+s2+$0x0], $0xffff;
	v5 =	vand.u32 $0x80000000, v5  }
0x187: {  	v56 =	vld.idx.msk [tilespmem:v11+s15+$0x0], $0xffff;
	v7 =	vand.u32 $0x80000000, v7;
	v8 =	vand.u32 $0x80000000, v8;
	v16 =	vmax.f32 v23, v16  }
0x188: {  	v58 =	vld.idx.msk [tilespmem:v11+s16+$0x0], $0xffff;
	v54 =	vxor.u32 v15, v9;
	v53 =	vxor.u32 v17, v6;
	v51 =	vand.u32 $0x7FFFFFFF, v24  }
0x189: {  	v14 =	vmax.f32 v20, v53;
	v55 =	vxor.u32 v18, v6;
	v17 =	vand.u32 $0x7FFFFFFF, v26;
	v60 =	vld.idx.msk [tilespmem:v32+s17+$0x0], $0xffff  }
0x18a: {  	v9 =	vmax.f32 v10, v54;
	v3 =	vmin.f32 v3, v14;
	v57 =	vmax.f32 v16, v55;
	v37 =	vld.idx.msk [tilespmem:v32+s2+$0x0], $0xffff  }
0x18b: {  	v59 =	vxor.u32 v19, v6;
	v61 =	vxor.u32 v25, v5;
	v62 =	vxor.u32 v27, v7;
	v44 =	vld.idx.msk [tilespmem:v32+s15+$0x0], $0xffff  }
0x18c: {  	v6 =	vmax.f32 v9, v59;
	v34 =	vxor.u32 v21, v8;
	v4 =	vmin.f32 v4, v57;
	v48 =	vld.idx.msk [tilespmem:v32+s16+$0x0], $0xffff  }
0x18d: {  	v36 =	vxor.u32 v28, v5;
	v38 =	vxor.u32 v29, v7;
	v39 =	vxor.u32 v30, v5;
	v63 =	vld.idx.msk [tilespmem:v51+s17+$0x0], $0xffff  }
0x18e: {  	v40 =	vxor.u32 v31, v7;
	v5 =	vxor.u32 v50, v5;
	v7 =	vxor.u32 v52, v7;
	v35 =	vld.idx.msk [tilespmem:v17+s17+$0x0], $0xffff  }
0x18f: {  	v45 =	vxor.u32 v33, v8;
	v47 =	vxor.u32 v56, v8;
	v50 =	vxor.u32 v58, v8;
	v41 =	vld.idx.msk [tilespmem:v51+s2+$0x0], $0xffff  }
0x190: {  	v52 =	vand.u32 $0x80000000, v22;
	v15 =	vmax.f32 v61, v62;
	v2 =	vmin.f32 v2, v6;
	v46 =	vld.idx.msk [tilespmem:v51+s15+$0x0], $0xffff  }
0x191: {  	v42 =	vmax.f32 v36, v38;
	v43 =	vmax.f32 v39, v40;
	v5 =	vmax.f32 v5, v7;
	v51 =	vld.idx.msk [tilespmem:v51+s16+$0x0], $0xffff  }
0x192: {  	v9 =	vmax.f32 v15, v34;
	v6 =	vmax.f32 v42, v45;
	v49 =	vmax.f32 v43, v47;
	v54 =	vld.idx.msk [tilespmem:v17+s2+$0x0], $0xffff  }
0x193: {  	v5 =	vmax.f32 v5, v50;
	v3 =	vmin.f32 v3, v6;
	v4 =	vmin.f32 v4, v49;
	v56 =	vld.idx.msk [tilespmem:v17+s15+$0x0], $0xffff  }
0x194: {  	v2 =	vmin.f32 v2, v5;
	v53 =	vand.u32 $0x80000000, v24;
	v55 =	vand.u32 $0x80000000, v26;
	v17 =	vld.idx.msk [tilespmem:v17+s16+$0x0], $0xffff  }
0x195: {  	v14 =	vxor.u32 v60, v52;
	v15 =	vxor.u32 v37, v52;
	v20 =	vxor.u32 v44, v52  }
0x196: {  	v10 =	vxor.u32 v48, v52;
	v19 =	vxor.u32 v63, v53;
	v16 =	vxor.u32 v35, v55  }
0x197: {  	v57 =	vxor.u32 v41, v53;
	v13 =	vxor.u32 v46, v53;
	v8 =	vxor.u32 v51, v53  }
0x198: {  	v7 =	vxor.u32 v54, v55;
	v59 =	vxor.u32 v56, v55;
	v58 =	vmax.f32 v15, v57  }
0x199: {  	v61 =	vxor.u32 v17, v55;
	v13 =	vmax.f32 v20, v13;
	v6 =	vmax.f32 v58, v7  }
0x19a: {  	v8 =	vmax.f32 v10, v8;
	v60 =	vmax.f32 v13, v59;
	v3 =	vmin.f32 v3, v6  }
0x19b: {  	v14 =	vmax.f32 v14, v19;
	v62 =	vmax.f32 v8, v61;
	v4 =	vmin.f32 v4, v60;
	(xrf0) =	vmin.scan.msk.f32 $0xffff, v3  }
0x19c: {  	v1 =	vmin.f32 v1, v9;
	v2 =	vmin.f32 v2, v62;
	v3 =	vmax.f32 v14, v16;
	(xrf0) =	vmin.scan.msk.f32 $0xffff, v4  }
0x19d: {  	v1 =	vmin.f32 v1, v3;
	(xrf0) =	vmin.scan.msk.f32 $0xffff, v2  }
0x19e: {  	(xrf0) =	vmin.scan.msk.f32 $0xffff, v1;
	_ =	sdelay $0x2  }
0x19f: {  	v1, _, _ =	vpop (xrf0)  }
0x1a0: {  	v2, _, _ =	vpop (xrf0);
	v1 =	vbroadcast v1, $0xF  }
0x1a1: {  	v3, _, _ =	vpop (xrf0);
	v2 =	vbroadcast v2, $0xF  }
0x1a2: {  	v1 =	vnsel vm0, $0x0, v1;
	v3 =	vbroadcast v3, $0xF;
	v63, _, _ =	vpop (xrf0)  }
0x1a3: {  	v1 =	vsel vm1, v1, v2;
	v2 =	vbroadcast v63, $0xF  }
0x1a4: {  	v1 =	vsel vm2, v1, v3  }
0x1a5: {  	v1 =	vsel vm3, v1, v2  }
0x1a6: {  	v1 =	vsub.f32 $0.0e+00, v1;
	_ =	sdelay $0x1  }
0x1a7: {  	v1 =	vmul.f32 $1.442695020e+00, v1;
	_ =	sdelay $0x1  }
0x1a8: {  	(erf) = vpow2.f32 v1;
	_ =	sdelay $0x8  }
0x1a9: {  	v1 =	vpop (erf)  }
0x1aa: {  	v1 =	vadd.f32 $1.000000000e+00, v1;
	_ =	sdelay $0x1  }
0x1ab: {  	(erf) = vrcp.f32 v1;
	_ =	sdelay $0x7  }
0x1ac: {  	s25 =	sadd.s32 $0x1, s25  }
0x1ad: {  	p0 =	sne.s32 s25, s14;
	v1 =	vpop (erf)  }
.Ltmp6:
0x1ae: {  	[tilespmem:$0x16380] =	vst v1;
	(pc) =	sbr.rel @p0 .LBB2_1-.Ltmp6, $4  }
0x1af: {  	[hbm4b:s13+s2] =	stream.linear.scatter [tilespmem:s24], [sflag:$0x3], $0x10, $0x38;
	[tilespmem:$0x16400] =	vst v63  }
0x1b0: {  	_ =	swait.ge [sflag:s20], $0x10  }
0x1b1: {  	[sflag:s20] =	ssyncset.done $0x0  }
0x1b2: {  	[sflag:s20] =	ssyncadd.s32 $0xFFFFFFF0  }
0x1b3: {  	_ =	sfence.sel $0x180000  }
0x1b4: {  	[bflag:$0x0] =	sbarrier.arrive $0xFFFF  }
0x1b5: {  	p0 =	sne.s32 s1, $0x0;
	_ =	strace $0x90000047  }
0x1b6: {  	s0 =	sadd.s32 @!p0 $0x100000, s0;
	[bflag:$0x2] =	sbarrier.arrive $0xFFFF  }
0x1b7: {  	[sflag:s0] =	ssyncadd.tile.s32 @!p0 $0x1;
	_ =	shalt  }
.Lfunc_end2:
_tile_overlayer_lowered:
.L_overlay_start_2:
0x1b8: {  	(tag) =	ssettag $0x2  }
0x1b9: {  	s0 =	rddreg [dreg:$0x0];
	s2 =	stileid.u32  }
0x1ba: {  	s1 =	rddreg [dreg:$0x1];
	p0 =	sne.s32 s2, $0x0  }
0x1bb: {  	s3 =	rddreg [dreg:$0x2];
	[bflag:$0x3] =	sbarrier.arrive $0xFFFF;
	s2 =	simm.s32 @!p0 $0x1C03  }
0x1bc: {  	[timem:s3], [sflag:s2] =	dma.local @!p0 [hbm:s0], s1  }
0x1bd: {  	s0 =	simm.s32 @!p0 $0x3  }
0x1be: {  	_ =	swait.ge @!p0 [sflag:s0], s1  }
0x1bf: {  	s1 =	ssub.s32 @!p0 $0x0, s1;
	[sflag:s0] =	ssyncset.done @!p0 $0x0  }
0x1c0: {  	[sflag:s0] =	ssyncadd.s32 @!p0 s1  }
0x1c1: {  	[bflag:$0x3] =	sbarrier.arrive $0xFFFF  }
0x1c2: {  	_ =	shalt  }

</sc_bundles>
